<compile_context>
chip_gen: v7x
topology: tpu7x:2x2x1
jax: 0.10.2.dev20260603
libtpu: 0.0.44.dev20260713+nightly
codegen_flags: <defaults>
</compile_context>

<pallas_src>
import functools

import jax
import jax.numpy as jnp
from jax import lax
from jax.experimental import pallas as pl
from jax.experimental.pallas import tpu as pltpu
from jax.experimental.pallas import tpu_sc as plsc

FEAT_SIZE = 38.0
THRESHOLD = 0.5

_B = 16
_SPLIT = 12
_BHI = _B - _SPLIT
_HW = 1444
_A = 5
_NC = 80

_NCORES = 2
_NSUB = 16
_NW = _NCORES * _NSUB
_TCOLS = 11
_TAIL0 = _TCOLS * 128
_TAIL = _HW - _TAIL0
_UNITS = _BHI * _A * _TCOLS
_UPW = -(-_UNITS // _NW)


def _sc_body(cs_hbm, conf_hbm, probs_hbm, idx_hbm, cs_v, conf_v, p_v, i_v):
    cid = lax.axis_index("c")
    sid = lax.axis_index("s")
    wid = sid * _NCORES + cid

    def unit_body(u, carry):
        gu = wid * _UPW + u

        @pl.when(gu < _UNITS)
        def _():
            ba = gu // _TCOLS
            tc = gu % _TCOLS
            bl = ba // _A
            a = ba % _A
            h0 = tc * 128
            pltpu.sync_copy(cs_hbm.at[_SPLIT + bl, a, :, pl.ds(h0, 128)], cs_v)
            pltpu.sync_copy(conf_hbm.at[_SPLIT + bl, a, pl.ds(h0, 128)], conf_v)

            def lane_group(l, carry2):
                cv = conf_v[pl.ds(l * 16, 16)]

                def cbody(c, mc):
                    m, am = mc
                    s = cs_v[c, pl.ds(l * 16, 16)] * cv
                    p = s > m
                    return (jnp.where(p, s, m),
                            jnp.where(p, jnp.zeros((16,), jnp.int32) + c, am))

                m0 = jnp.full((16,), -1.0, jnp.float32)
                am0 = jnp.zeros((16,), jnp.int32)
                m, am = lax.fori_loop(0, _NC, cbody, (m0, am0), unroll=8)
                pm = m > THRESHOLD
                p_v[pl.ds(l * 16, 16)] = jnp.where(pm, m, 0.0)
                i_v[pl.ds(l * 16, 16)] = am
                return carry2

            lax.fori_loop(0, 8, lane_group, 0)
            pltpu.sync_copy(p_v, probs_hbm.at[bl, a, pl.ds(h0, 128)])
            pltpu.sync_copy(i_v, idx_hbm.at[bl, a, pl.ds(h0, 128)])

        return carry

    lax.fori_loop(0, _UPW, unit_body, 0)


def _sc_call(cs_t, conf_t):
    mesh = plsc.VectorSubcoreMesh(core_axis_name="c", subcore_axis_name="s")
    fn = functools.partial(
        pl.kernel,
        out_type=[
            jax.ShapeDtypeStruct((_BHI, _A, _HW), jnp.float32),
            jax.ShapeDtypeStruct((_BHI, _A, _HW), jnp.int32),
        ],
        mesh=mesh,
        scratch_types=[
            pltpu.VMEM((_NC, 128), jnp.float32),
            pltpu.VMEM((128,), jnp.float32),
            pltpu.VMEM((128,), jnp.float32),
            pltpu.VMEM((128,), jnp.int32),
        ],
        compiler_params=pltpu.CompilerParams(use_tc_tiling_on_sc=True),
    )(_sc_body)
    return fn(cs_t, conf_t)


def _decode_box(box, prior, mask):
    xy = box[:, :, :2, :] + prior[None, :, :2, :]
    wh = box[:, :, 2:, :] * prior[None, :, 2:, :]
    mins = xy - wh / 2.0
    maxs = xy + wh / 2.0
    corners = jnp.concatenate([mins, maxs], axis=2) / FEAT_SIZE
    return jnp.where(mask[:, :, None, :], corners, 0.0)


def _tc_lo_body(cs_ref, conf_ref, box_ref, prior_ref,
                boxo_ref, probs_ref, idx_ref):
    cs = cs_ref[...]
    conf = conf_ref[...]
    scores = cs * conf[:, :, None, :]
    m = jnp.max(scores, axis=2)
    iota = lax.broadcasted_iota(jnp.int32, scores.shape, 2).astype(jnp.float32)
    amf = jnp.min(jnp.where(scores == m[:, :, None, :], iota, 128.0), axis=2)
    am = amf.astype(jnp.int32)
    mask = m > THRESHOLD
    boxo_ref[...] = _decode_box(box_ref[...], prior_ref[...], mask)
    probs_ref[...] = jnp.where(mask, m, 0.0)
    idx_ref[...] = am


def _tc_hi_body(probs_ref, idx_ref, cst_ref, cft_ref, box_ref, prior_ref,
                boxo_ref, probso_ref, idxo_ref):
    cst = cst_ref[...]
    cft = cft_ref[...]
    st = cst * cft[:, :, None, :]
    mt = jnp.max(st, axis=2)
    iota = lax.broadcasted_iota(jnp.int32, st.shape, 2).astype(jnp.float32)
    amt = jnp.min(jnp.where(st == mt[:, :, None, :], iota, 128.0),
                  axis=2).astype(jnp.int32)
    pt = jnp.where(mt > THRESHOLD, mt, 0.0)

    p_in = probs_ref[...]
    i_in = idx_ref[...]
    probs = jnp.concatenate([p_in[:, :, :_TAIL0], pt[:, :, :_TAIL]], axis=2)
    idx = jnp.concatenate([i_in[:, :, :_TAIL0], amt[:, :, :_TAIL]], axis=2)
    mask = probs > THRESHOLD
    boxo_ref[...] = _decode_box(box_ref[...], prior_ref[...], mask)
    probso_ref[...] = probs
    idxo_ref[...] = idx


def kernel(box, box_confidence, class_score, prior):
    cs_t = jnp.transpose(class_score, (0, 2, 3, 1))
    conf_t = jnp.transpose(box_confidence[..., 0], (0, 2, 1))
    box_t = jnp.transpose(box, (0, 2, 3, 1))
    prior_t = jnp.transpose(prior, (1, 2, 0))

    probs_sc, idx_sc = _sc_call(cs_t, conf_t)

    boxo_lo, probs_lo, idx_lo = pl.pallas_call(
        _tc_lo_body,
        grid=(_SPLIT,),
        in_specs=[
            pl.BlockSpec((1, _A, _NC, _HW), lambda b: (b, 0, 0, 0)),
            pl.BlockSpec((1, _A, _HW), lambda b: (b, 0, 0)),
            pl.BlockSpec((1, _A, 4, _HW), lambda b: (b, 0, 0, 0)),
            pl.BlockSpec((_A, 4, _HW), lambda b: (0, 0, 0)),
        ],
        out_specs=[
            pl.BlockSpec((1, _A, 4, _HW), lambda b: (b, 0, 0, 0)),
            pl.BlockSpec((1, _A, _HW), lambda b: (b, 0, 0)),
            pl.BlockSpec((1, _A, _HW), lambda b: (b, 0, 0)),
        ],
        out_shape=[
            jax.ShapeDtypeStruct((_SPLIT, _A, 4, _HW), jnp.float32),
            jax.ShapeDtypeStruct((_SPLIT, _A, _HW), jnp.float32),
            jax.ShapeDtypeStruct((_SPLIT, _A, _HW), jnp.int32),
        ],
        compiler_params=pltpu.CompilerParams(
            dimension_semantics=("parallel",),
            skip_device_barrier=True,
        ),
    )(cs_t, conf_t, box_t, prior_t)

    boxo_hi, probs_hi, idx_hi = pl.pallas_call(
        _tc_hi_body,
        grid=(_BHI,),
        in_specs=[
            pl.BlockSpec((1, _A, _HW), lambda b: (b, 0, 0)),
            pl.BlockSpec((1, _A, _HW), lambda b: (b, 0, 0)),
            pl.BlockSpec((1, _A, _NC, 128), lambda b: (b + _SPLIT, 0, 0, _TCOLS)),
            pl.BlockSpec((1, _A, 128), lambda b: (b + _SPLIT, 0, _TCOLS)),
            pl.BlockSpec((1, _A, 4, _HW), lambda b: (b + _SPLIT, 0, 0, 0)),
            pl.BlockSpec((_A, 4, _HW), lambda b: (0, 0, 0)),
        ],
        out_specs=[
            pl.BlockSpec((1, _A, 4, _HW), lambda b: (b, 0, 0, 0)),
            pl.BlockSpec((1, _A, _HW), lambda b: (b, 0, 0)),
            pl.BlockSpec((1, _A, _HW), lambda b: (b, 0, 0)),
        ],
        out_shape=[
            jax.ShapeDtypeStruct((_BHI, _A, 4, _HW), jnp.float32),
            jax.ShapeDtypeStruct((_BHI, _A, _HW), jnp.float32),
            jax.ShapeDtypeStruct((_BHI, _A, _HW), jnp.int32),
        ],
        compiler_params=pltpu.CompilerParams(
            dimension_semantics=("parallel",),
        ),
    )(probs_sc, idx_sc, cs_t, conf_t, box_t, prior_t)

    boxo_t = jnp.concatenate([boxo_lo, boxo_hi], axis=0)
    probs_t = jnp.concatenate([probs_lo, probs_hi], axis=0)
    idx_t = jnp.concatenate([idx_lo, idx_hi], axis=0)

    box_out = jnp.transpose(boxo_t, (0, 3, 1, 2))
    probs_out = jnp.transpose(probs_t, (0, 2, 1))
    idx_out = jnp.transpose(idx_t, (0, 2, 1))
    return box_out, probs_out, idx_out

# --- scband reference (transcript-rebuilt; emitter-appended) ---
"""Pipeline reference for scband-detector-38869454029255 (READ-ONLY COPY).

The authoritative reference and input builder live on the scoring server;
editing this copy changes nothing except your own understanding.
"""

import jax, jax.numpy as jnp
import numpy as np

FEAT_SIZE = 38.0
THRESHOLD = 0.5


def box_to_corners(b):
    xy = b[..., :2]
    wh = b[..., 2:]
    mins = xy - wh / 2.0
    maxs = xy + wh / 2.0
    return jnp.concatenate([mins, maxs], axis=-1)


def setup_inputs(seed: int = 0) -> dict:
    key = jax.random.key(seed)
    k1, k2, k3, k4 = jax.random.split(key, 4)
    box = jax.random.uniform(k1, (16, 1444, 5, 4), dtype=jnp.float32)
    box_confidence = jax.random.uniform(k2, (16, 1444, 5, 1), dtype=jnp.float32)
    class_score = jax.random.uniform(k3, (16, 1444, 5, 80), dtype=jnp.float32)
    prior = jax.random.uniform(k4, (1444, 5, 4), dtype=jnp.float32)
    return {"box": box, "box_confidence": box_confidence, "class_score": class_score, "prior": prior}


def reference(box, box_confidence, class_score, prior):
    # box[:, :, :, :2] += prior[..., :2]; box[:, :, :, 2:] *= prior[..., 2:]
    b = box.at[..., :2].add(jnp.broadcast_to(prior[..., :2], box[..., :2].shape))
    b = b.at[..., 2:].multiply(jnp.broadcast_to(prior[..., 2:], box[..., 2:].shape))
    corners = box_to_corners(b) / FEAT_SIZE
    # choose_box: per-box class scores = confidence * class probability
    scores = box_confidence * class_score  # (N, hw, 5, nclass)
    class_probs = jnp.max(scores, axis=-1)  # (N, hw, 5)
    class_index = jnp.argmax(scores, axis=-1)  # (N, hw, 5)
    mask = class_probs > THRESHOLD
    # static-shape filtering: zero out non-object detections instead of boolean gather
    box_out = jnp.where(mask[..., None], corners, 0.0)
    class_probs_out = jnp.where(mask, class_probs, 0.0)
    return box_out, class_probs_out, class_index

if __name__ == "__main__":
    import jax
    _d = setup_inputs()
    print(jax.jit(kernel)(*tuple(_d.values())))

</pallas_src>

<mosaic_0001>
#map = affine_map<(d0, d1) -> (0, 0, 0, 0)>
#map1 = affine_map<(d0, d1) -> (0, 0, 0)>
module attributes {stable_mosaic.version = 14 : i64} {
  func.func @_sc_body(%arg0: i32, %arg1: i32, %arg2: memref<16x5x80x1444xf32, #tpu.memory_space<hbm>>, %arg3: memref<16x5x1444xf32, #tpu.memory_space<hbm>>, %arg4: memref<4x5x1444xf32, #tpu.memory_space<hbm>>, %arg5: memref<4x5x1444xi32, #tpu.memory_space<hbm>>, %arg6: memref<80x128xf32, #tpu.memory_space<vmem>>, %arg7: memref<128xf32, #tpu.memory_space<vmem>>, %arg8: memref<128xf32, #tpu.memory_space<vmem>>, %arg9: memref<128xi32, #tpu.memory_space<vmem>>) attributes {dimension_semantics = [#tpu.dimension_semantics<core_parallel>, #tpu.dimension_semantics<subcore_parallel>], iteration_bounds = array<i64: 2, 16>, scalar_prefetch = 0 : i64, scratch_operands = 4 : i64, tpu.core_type = #tpu.core_type<sc_vector_subcore>, window_params = [{transform_indices = #map}, {transform_indices = #map1}, {transform_indices = #map1}, {transform_indices = #map1}]} {
    %mul3A = arith.constant 2 : i32
    %mul3A_0 = arith.muli %arg1, %mul3A : i32
    %add3A = arith.addi %mul3A_0, %arg0 : i32
    %scan3A = arith.constant 0 : i32
    %scan3A_1 = arith.constant 0 : i32
    %scan3A_2 = arith.constant 7 : i32
    %scan3A_3 = arith.addi %scan3A_1, %scan3A_2 : i32
    %scan3A_4 = arith.constant 1 : i32
    scf.for %scan3A_6 = %scan3A_1 to %scan3A_3 step %scan3A_4  : i32 {
      %mul3A_7 = arith.constant 7 : i32
      %mul3A_8 = arith.muli %add3A, %mul3A_7 : i32
      %add3A_9 = arith.addi %mul3A_8, %scan3A_6 : i32
      %lt3A = arith.constant 220 : i32
      %lt3A_10 = arith.cmpi slt, %add3A_9, %lt3A : i32
      %convert_element_type3A = arith.extui %lt3A_10 : i1 to i32
      %cond3A = arith.constant 0 : i32
      %cond3A_11 = arith.cmpi ne, %convert_element_type3A, %cond3A : i32
      scf.if %cond3A_11 {
        %jit3A = arith.constant 11 : i32
        %div3A = arith.divsi %add3A_9, %jit3A : i32
        %sign3A = arith.constant 0 : i32
        %sign3A_12 = arith.cmpi sgt, %add3A_9, %sign3A : i32
        %sign3A_13 = arith.extui %sign3A_12 : i1 to i32
        %sign3A_14 = arith.constant 0 : i32
        %sign3A_15 = arith.cmpi slt, %add3A_9, %sign3A_14 : i32
        %sign3A_16 = arith.extui %sign3A_15 : i1 to i32
        %sign3A_17 = arith.subi %sign3A_13, %sign3A_16 : i32
        %sign3A_18 = arith.constant 0 : i32
        %sign3A_19 = arith.cmpi sgt, %jit3A, %sign3A_18 : i32
        %sign3A_20 = arith.extui %sign3A_19 : i1 to i32
        %sign3A_21 = arith.constant 0 : i32
        %sign3A_22 = arith.cmpi slt, %jit3A, %sign3A_21 : i32
        %sign3A_23 = arith.extui %sign3A_22 : i1 to i32
        %sign3A_24 = arith.subi %sign3A_20, %sign3A_23 : i32
        %ne3A = arith.cmpi ne, %sign3A_17, %sign3A_24 : i32
        %rem3A = arith.remsi %add3A_9, %jit3A : i32
        %ne3A_25 = arith.constant 0 : i32
        %ne3A_26 = arith.cmpi ne, %rem3A, %ne3A_25 : i32
        %and3A = arith.andi %ne3A, %ne3A_26 : i1
        %sub3A = arith.constant 1 : i32
        %sub3A_27 = arith.subi %div3A, %sub3A : i32
        %select_n3A = arith.select %and3A, %sub3A_27, %div3A : i32
        %jit3A_28 = arith.constant 11 : i32
        %eq3A = arith.constant 0 : i32
        %eq3A_29 = arith.cmpi eq, %jit3A_28, %eq3A : i32
        %jit3A_30 = arith.constant 1 : i32
        %select_n3A_31 = arith.select %eq3A_29, %jit3A_30, %jit3A_28 : i32
        %rem3A_32 = arith.remsi %add3A_9, %select_n3A_31 : i32
        %ne3A_33 = arith.constant 0 : i32
        %ne3A_34 = arith.cmpi ne, %rem3A_32, %ne3A_33 : i32
        %lt3A_35 = arith.constant 0 : i32
        %lt3A_36 = arith.cmpi slt, %rem3A_32, %lt3A_35 : i32
        %lt3A_37 = arith.constant 0 : i32
        %lt3A_38 = arith.cmpi slt, %select_n3A_31, %lt3A_37 : i32
        %ne3A_39 = arith.xori %lt3A_36, %lt3A_38 : i1
        %and3A_40 = arith.andi %ne3A_39, %ne3A_34 : i1
        %add3A_41 = arith.addi %rem3A_32, %select_n3A_31 : i32
        %select_n3A_42 = arith.select %and3A_40, %add3A_41, %rem3A_32 : i32
        %jit3A_43 = arith.constant 5 : i32
        %div3A_44 = arith.divsi %select_n3A, %jit3A_43 : i32
        %sign3A_45 = arith.constant 0 : i32
        %sign3A_46 = arith.cmpi sgt, %select_n3A, %sign3A_45 : i32
        %sign3A_47 = arith.extui %sign3A_46 : i1 to i32
        %sign3A_48 = arith.constant 0 : i32
        %sign3A_49 = arith.cmpi slt, %select_n3A, %sign3A_48 : i32
        %sign3A_50 = arith.extui %sign3A_49 : i1 to i32
        %sign3A_51 = arith.subi %sign3A_47, %sign3A_50 : i32
        %sign3A_52 = arith.constant 0 : i32
        %sign3A_53 = arith.cmpi sgt, %jit3A_43, %sign3A_52 : i32
        %sign3A_54 = arith.extui %sign3A_53 : i1 to i32
        %sign3A_55 = arith.constant 0 : i32
        %sign3A_56 = arith.cmpi slt, %jit3A_43, %sign3A_55 : i32
        %sign3A_57 = arith.extui %sign3A_56 : i1 to i32
        %sign3A_58 = arith.subi %sign3A_54, %sign3A_57 : i32
        %ne3A_59 = arith.cmpi ne, %sign3A_51, %sign3A_58 : i32
        %rem3A_60 = arith.remsi %select_n3A, %jit3A_43 : i32
        %ne3A_61 = arith.constant 0 : i32
        %ne3A_62 = arith.cmpi ne, %rem3A_60, %ne3A_61 : i32
        %and3A_63 = arith.andi %ne3A_59, %ne3A_62 : i1
        %sub3A_64 = arith.constant 1 : i32
        %sub3A_65 = arith.subi %div3A_44, %sub3A_64 : i32
        %select_n3A_66 = arith.select %and3A_63, %sub3A_65, %div3A_44 : i32
        %jit3A_67 = arith.constant 5 : i32
        %eq3A_68 = arith.constant 0 : i32
        %eq3A_69 = arith.cmpi eq, %jit3A_67, %eq3A_68 : i32
        %jit3A_70 = arith.constant 1 : i32
        %select_n3A_71 = arith.select %eq3A_69, %jit3A_70, %jit3A_67 : i32
        %rem3A_72 = arith.remsi %select_n3A, %select_n3A_71 : i32
        %ne3A_73 = arith.constant 0 : i32
        %ne3A_74 = arith.cmpi ne, %rem3A_72, %ne3A_73 : i32
        %lt3A_75 = arith.constant 0 : i32
        %lt3A_76 = arith.cmpi slt, %rem3A_72, %lt3A_75 : i32
        %lt3A_77 = arith.constant 0 : i32
        %lt3A_78 = arith.cmpi slt, %select_n3A_71, %lt3A_77 : i32
        %ne3A_79 = arith.xori %lt3A_76, %lt3A_78 : i1
        %and3A_80 = arith.andi %ne3A_79, %ne3A_74 : i1
        %add3A_81 = arith.addi %rem3A_72, %select_n3A_71 : i32
        %select_n3A_82 = arith.select %and3A_80, %add3A_81, %rem3A_72 : i32
        %mul3A_83 = arith.constant 128 : i32
        %mul3A_84 = arith.muli %select_n3A_42, %mul3A_83 : i32
        %add3A_85 = arith.constant 12 : i32
        %add3A_86 = arith.addi %add3A_85, %select_n3A_66 : i32
        "tpu.region"() ({
          %run_scoped3A = tpu.sem_alloc : memref<!tpu.dma_semaphore, #tpu.memory_space<semaphore_mem>>
          %dma_start3A = arith.constant 0 : i32
          %dma_start3A_95 = tpu.memref_slice %arg2[%add3A_86, %select_n3A_82, %dma_start3A, %mul3A_84] : memref<16x5x80x1444xf32, #tpu.memory_space<hbm>> -> memref<1x1x80x128xf32, #tpu.memory_space<hbm>>
          %dma_start3A_96 = tpu.memref_squeeze %dma_start3A_95 : memref<1x1x80x128xf32, #tpu.memory_space<hbm>> -> memref<80x128xf32, #tpu.memory_space<hbm>>
          %dma_start3A_97 = arith.constant 0 : i32
          %dma_start3A_98 = tpu.memref_slice %arg2[%add3A_86, %select_n3A_82, %dma_start3A_97, %mul3A_84] : memref<16x5x80x1444xf32, #tpu.memory_space<hbm>> -> memref<1x1x80x128xf32, #tpu.memory_space<hbm>>
          %dma_start3A_99 = tpu.memref_squeeze %dma_start3A_98 : memref<1x1x80x128xf32, #tpu.memory_space<hbm>> -> memref<80x128xf32, #tpu.memory_space<hbm>>
          tpu.enqueue_dma source(%dma_start3A_99 : memref<80x128xf32, #tpu.memory_space<hbm>>) target(%arg6 : memref<80x128xf32, #tpu.memory_space<vmem>>) target_semaphore(%run_scoped3A : memref<!tpu.dma_semaphore, #tpu.memory_space<semaphore_mem>>)
          %dma_wait3A = arith.constant 0 : i32
          %dma_wait3A_100 = tpu.memref_slice %arg2[%add3A_86, %select_n3A_82, %dma_wait3A, %mul3A_84] : memref<16x5x80x1444xf32, #tpu.memory_space<hbm>> -> memref<1x1x80x128xf32, #tpu.memory_space<hbm>>
          %dma_wait3A_101 = tpu.memref_squeeze %dma_wait3A_100 : memref<1x1x80x128xf32, #tpu.memory_space<hbm>> -> memref<80x128xf32, #tpu.memory_space<hbm>>
          %dma_wait3A_102 = arith.constant 0 : i32
          %dma_wait3A_103 = tpu.memref_slice %arg2[%add3A_86, %select_n3A_82, %dma_wait3A_102, %mul3A_84] : memref<16x5x80x1444xf32, #tpu.memory_space<hbm>> -> memref<1x1x80x128xf32, #tpu.memory_space<hbm>>
          %dma_wait3A_104 = tpu.memref_squeeze %dma_wait3A_103 : memref<1x1x80x128xf32, #tpu.memory_space<hbm>> -> memref<80x128xf32, #tpu.memory_space<hbm>>
          tpu.wait_dma2 semaphore(%run_scoped3A : memref<!tpu.dma_semaphore, #tpu.memory_space<semaphore_mem>>) src(%dma_wait3A_104 : memref<80x128xf32, #tpu.memory_space<hbm>>) dst(%arg6 : memref<80x128xf32, #tpu.memory_space<vmem>>)
          tpu.yield
        }) : () -> ()
        %add3A_87 = arith.constant 12 : i32
        %add3A_88 = arith.addi %add3A_87, %select_n3A_66 : i32
        "tpu.region"() ({
          %run_scoped3A = tpu.sem_alloc : memref<!tpu.dma_semaphore, #tpu.memory_space<semaphore_mem>>
          %dma_start3A = tpu.memref_slice %arg3[%add3A_88, %select_n3A_82, %mul3A_84] : memref<16x5x1444xf32, #tpu.memory_space<hbm>> -> memref<1x1x128xf32, #tpu.memory_space<hbm>>
          %dma_start3A_95 = tpu.memref_squeeze %dma_start3A : memref<1x1x128xf32, #tpu.memory_space<hbm>> -> memref<128xf32, #tpu.memory_space<hbm>>
          %dma_start3A_96 = tpu.memref_slice %arg3[%add3A_88, %select_n3A_82, %mul3A_84] : memref<16x5x1444xf32, #tpu.memory_space<hbm>> -> memref<1x1x128xf32, #tpu.memory_space<hbm>>
          %dma_start3A_97 = tpu.memref_squeeze %dma_start3A_96 : memref<1x1x128xf32, #tpu.memory_space<hbm>> -> memref<128xf32, #tpu.memory_space<hbm>>
          tpu.enqueue_dma source(%dma_start3A_97 : memref<128xf32, #tpu.memory_space<hbm>>) target(%arg7 : memref<128xf32, #tpu.memory_space<vmem>>) target_semaphore(%run_scoped3A : memref<!tpu.dma_semaphore, #tpu.memory_space<semaphore_mem>>)
          %dma_wait3A = tpu.memref_slice %arg3[%add3A_88, %select_n3A_82, %mul3A_84] : memref<16x5x1444xf32, #tpu.memory_space<hbm>> -> memref<1x1x128xf32, #tpu.memory_space<hbm>>
          %dma_wait3A_98 = tpu.memref_squeeze %dma_wait3A : memref<1x1x128xf32, #tpu.memory_space<hbm>> -> memref<128xf32, #tpu.memory_space<hbm>>
          %dma_wait3A_99 = tpu.memref_slice %arg3[%add3A_88, %select_n3A_82, %mul3A_84] : memref<16x5x1444xf32, #tpu.memory_space<hbm>> -> memref<1x1x128xf32, #tpu.memory_space<hbm>>
          %dma_wait3A_100 = tpu.memref_squeeze %dma_wait3A_99 : memref<1x1x128xf32, #tpu.memory_space<hbm>> -> memref<128xf32, #tpu.memory_space<hbm>>
          tpu.wait_dma2 semaphore(%run_scoped3A : memref<!tpu.dma_semaphore, #tpu.memory_space<semaphore_mem>>) src(%dma_wait3A_100 : memref<128xf32, #tpu.memory_space<hbm>>) dst(%arg7 : memref<128xf32, #tpu.memory_space<vmem>>)
          tpu.yield
        }) : () -> ()
        %scan3A_89 = arith.constant 0 : i32
        %scan3A_90 = arith.constant 0 : i32
        %scan3A_91 = arith.constant 8 : i32
        %scan3A_92 = arith.addi %scan3A_90, %scan3A_91 : i32
        %scan3A_93 = arith.constant 1 : i32
        scf.for %scan3A_95 = %scan3A_90 to %scan3A_92 step %scan3A_93  : i32 {
          %mul3A_96 = arith.constant 16 : i32
          %mul3A_97 = arith.muli %scan3A_95, %mul3A_96 : i32
          %get3A = arith.index_cast %mul3A_97 : i32 to index
          %get3A_98 = tpu.vector_load %arg7[%get3A] {strides = array<i32>} : memref<128xf32, #tpu.memory_space<vmem>>, vector<16xf32>,
          %get3A_99 = vector.shape_cast %get3A_98 : vector<16xf32> to vector<16xf32>
          %broadcast_in_dim3A = arith.constant -1.000000e+00 : f32
          %broadcast_in_dim3A_100 = vector.broadcast %broadcast_in_dim3A : f32 to vector<16xf32>
          %broadcast_in_dim3A_101 = arith.constant 0 : i32
          %broadcast_in_dim3A_102 = vector.broadcast %broadcast_in_dim3A_101 : i32 to vector<16xi32>
          %scan3A_103 = arith.constant 0 : i32
          %scan3A_104 = arith.constant 80 : i32
          %scan3A_105 = arith.addi %scan3A_103, %scan3A_104 : i32
          %scan3A_106 = arith.constant 8 : i32
          %scan3A_107:2 = scf.for %scan3A_125 = %scan3A_103 to %scan3A_105 step %scan3A_106 iter_args(%scan3A_126 = %broadcast_in_dim3A_100, %scan3A_127 = %broadcast_in_dim3A_102) -> (vector<16xf32>, vector<16xi32>)  : i32 {
            %mul3A_128 = arith.constant 16 : i32
            %mul3A_129 = arith.muli %scan3A_95, %mul3A_128 : i32
            %get3A_130 = arith.index_cast %scan3A_125 : i32 to index
            %get3A_131 = arith.index_cast %mul3A_129 : i32 to index
            %get3A_132 = tpu.vector_load %arg6[%get3A_130, %get3A_131] {strides = array<i32>} : memref<80x128xf32, #tpu.memory_space<vmem>>, vector<1x16xf32>,
            %get3A_133 = vector.shape_cast %get3A_132 : vector<1x16xf32> to vector<16xf32>
            %mul3A_134 = arith.mulf %get3A_133, %get3A_99 : vector<16xf32>
            %gt3A_135 = arith.cmpf ogt, %mul3A_134, %scan3A_126 : vector<16xf32>
            %select_n3A_136 = arith.select %gt3A_135, %mul3A_134, %scan3A_126 : vector<16xi1>, vector<16xf32>
            %broadcast_in_dim3A_137 = arith.constant 0 : i32
            %broadcast_in_dim3A_138 = vector.broadcast %broadcast_in_dim3A_137 : i32 to vector<16xi32>
            %add3A_139 = vector.broadcast %scan3A_125 : i32 to vector<16xi32>
            %add3A_140 = arith.addi %broadcast_in_dim3A_138, %add3A_139 : vector<16xi32>
            %select_n3A_141 = arith.select %gt3A_135, %add3A_140, %scan3A_127 : vector<16xi1>, vector<16xi32>
            %scan3A_142 = arith.constant 1 : i32
            %scan3A_143 = arith.addi %scan3A_125, %scan3A_142 : i32
            %mul3A_144 = arith.constant 16 : i32
            %mul3A_145 = arith.muli %scan3A_95, %mul3A_144 : i32
            %get3A_146 = arith.index_cast %scan3A_143 : i32 to index
            %get3A_147 = arith.index_cast %mul3A_145 : i32 to index
            %get3A_148 = tpu.vector_load %arg6[%get3A_146, %get3A_147] {strides = array<i32>} : memref<80x128xf32, #tpu.memory_space<vmem>>, vector<1x16xf32>,
            %get3A_149 = vector.shape_cast %get3A_148 : vector<1x16xf32> to vector<16xf32>
            %mul3A_150 = arith.mulf %get3A_149, %get3A_99 : vector<16xf32>
            %gt3A_151 = arith.cmpf ogt, %mul3A_150, %select_n3A_136 : vector<16xf32>
            %select_n3A_152 = arith.select %gt3A_151, %mul3A_150, %select_n3A_136 : vector<16xi1>, vector<16xf32>
            %broadcast_in_dim3A_153 = arith.constant 0 : i32
            %broadcast_in_dim3A_154 = vector.broadcast %broadcast_in_dim3A_153 : i32 to vector<16xi32>
            %add3A_155 = vector.broadcast %scan3A_143 : i32 to vector<16xi32>
            %add3A_156 = arith.addi %broadcast_in_dim3A_154, %add3A_155 : vector<16xi32>
            %select_n3A_157 = arith.select %gt3A_151, %add3A_156, %select_n3A_141 : vector<16xi1>, vector<16xi32>
            %scan3A_158 = arith.constant 2 : i32
            %scan3A_159 = arith.addi %scan3A_125, %scan3A_158 : i32
            %mul3A_160 = arith.constant 16 : i32
            %mul3A_161 = arith.muli %scan3A_95, %mul3A_160 : i32
            %get3A_162 = arith.index_cast %scan3A_159 : i32 to index
            %get3A_163 = arith.index_cast %mul3A_161 : i32 to index
            %get3A_164 = tpu.vector_load %arg6[%get3A_162, %get3A_163] {strides = array<i32>} : memref<80x128xf32, #tpu.memory_space<vmem>>, vector<1x16xf32>,
            %get3A_165 = vector.shape_cast %get3A_164 : vector<1x16xf32> to vector<16xf32>
            %mul3A_166 = arith.mulf %get3A_165, %get3A_99 : vector<16xf32>
            %gt3A_167 = arith.cmpf ogt, %mul3A_166, %select_n3A_152 : vector<16xf32>
            %select_n3A_168 = arith.select %gt3A_167, %mul3A_166, %select_n3A_152 : vector<16xi1>, vector<16xf32>
            %broadcast_in_dim3A_169 = arith.constant 0 : i32
            %broadcast_in_dim3A_170 = vector.broadcast %broadcast_in_dim3A_169 : i32 to vector<16xi32>
            %add3A_171 = vector.broadcast %scan3A_159 : i32 to vector<16xi32>
            %add3A_172 = arith.addi %broadcast_in_dim3A_170, %add3A_171 : vector<16xi32>
            %select_n3A_173 = arith.select %gt3A_167, %add3A_172, %select_n3A_157 : vector<16xi1>, vector<16xi32>
            %scan3A_174 = arith.constant 3 : i32
            %scan3A_175 = arith.addi %scan3A_125, %scan3A_174 : i32
            %mul3A_176 = arith.constant 16 : i32
            %mul3A_177 = arith.muli %scan3A_95, %mul3A_176 : i32
            %get3A_178 = arith.index_cast %scan3A_175 : i32 to index
            %get3A_179 = arith.index_cast %mul3A_177 : i32 to index
            %get3A_180 = tpu.vector_load %arg6[%get3A_178, %get3A_179] {strides = array<i32>} : memref<80x128xf32, #tpu.memory_space<vmem>>, vector<1x16xf32>,
            %get3A_181 = vector.shape_cast %get3A_180 : vector<1x16xf32> to vector<16xf32>
            %mul3A_182 = arith.mulf %get3A_181, %get3A_99 : vector<16xf32>
            %gt3A_183 = arith.cmpf ogt, %mul3A_182, %select_n3A_168 : vector<16xf32>
            %select_n3A_184 = arith.select %gt3A_183, %mul3A_182, %select_n3A_168 : vector<16xi1>, vector<16xf32>
            %broadcast_in_dim3A_185 = arith.constant 0 : i32
            %broadcast_in_dim3A_186 = vector.broadcast %broadcast_in_dim3A_185 : i32 to vector<16xi32>
            %add3A_187 = vector.broadcast %scan3A_175 : i32 to vector<16xi32>
            %add3A_188 = arith.addi %broadcast_in_dim3A_186, %add3A_187 : vector<16xi32>
            %select_n3A_189 = arith.select %gt3A_183, %add3A_188, %select_n3A_173 : vector<16xi1>, vector<16xi32>
            %scan3A_190 = arith.constant 4 : i32
            %scan3A_191 = arith.addi %scan3A_125, %scan3A_190 : i32
            %mul3A_192 = arith.constant 16 : i32
            %mul3A_193 = arith.muli %scan3A_95, %mul3A_192 : i32
            %get3A_194 = arith.index_cast %scan3A_191 : i32 to index
            %get3A_195 = arith.index_cast %mul3A_193 : i32 to index
            %get3A_196 = tpu.vector_load %arg6[%get3A_194, %get3A_195] {strides = array<i32>} : memref<80x128xf32, #tpu.memory_space<vmem>>, vector<1x16xf32>,
            %get3A_197 = vector.shape_cast %get3A_196 : vector<1x16xf32> to vector<16xf32>
            %mul3A_198 = arith.mulf %get3A_197, %get3A_99 : vector<16xf32>
            %gt3A_199 = arith.cmpf ogt, %mul3A_198, %select_n3A_184 : vector<16xf32>
            %select_n3A_200 = arith.select %gt3A_199, %mul3A_198, %select_n3A_184 : vector<16xi1>, vector<16xf32>
            %broadcast_in_dim3A_201 = arith.constant 0 : i32
            %broadcast_in_dim3A_202 = vector.broadcast %broadcast_in_dim3A_201 : i32 to vector<16xi32>
            %add3A_203 = vector.broadcast %scan3A_191 : i32 to vector<16xi32>
            %add3A_204 = arith.addi %broadcast_in_dim3A_202, %add3A_203 : vector<16xi32>
            %select_n3A_205 = arith.select %gt3A_199, %add3A_204, %select_n3A_189 : vector<16xi1>, vector<16xi32>
            %scan3A_206 = arith.constant 5 : i32
            %scan3A_207 = arith.addi %scan3A_125, %scan3A_206 : i32
            %mul3A_208 = arith.constant 16 : i32
            %mul3A_209 = arith.muli %scan3A_95, %mul3A_208 : i32
            %get3A_210 = arith.index_cast %scan3A_207 : i32 to index
            %get3A_211 = arith.index_cast %mul3A_209 : i32 to index
            %get3A_212 = tpu.vector_load %arg6[%get3A_210, %get3A_211] {strides = array<i32>} : memref<80x128xf32, #tpu.memory_space<vmem>>, vector<1x16xf32>,
            %get3A_213 = vector.shape_cast %get3A_212 : vector<1x16xf32> to vector<16xf32>
            %mul3A_214 = arith.mulf %get3A_213, %get3A_99 : vector<16xf32>
            %gt3A_215 = arith.cmpf ogt, %mul3A_214, %select_n3A_200 : vector<16xf32>
            %select_n3A_216 = arith.select %gt3A_215, %mul3A_214, %select_n3A_200 : vector<16xi1>, vector<16xf32>
            %broadcast_in_dim3A_217 = arith.constant 0 : i32
            %broadcast_in_dim3A_218 = vector.broadcast %broadcast_in_dim3A_217 : i32 to vector<16xi32>
            %add3A_219 = vector.broadcast %scan3A_207 : i32 to vector<16xi32>
            %add3A_220 = arith.addi %broadcast_in_dim3A_218, %add3A_219 : vector<16xi32>
            %select_n3A_221 = arith.select %gt3A_215, %add3A_220, %select_n3A_205 : vector<16xi1>, vector<16xi32>
            %scan3A_222 = arith.constant 6 : i32
            %scan3A_223 = arith.addi %scan3A_125, %scan3A_222 : i32
            %mul3A_224 = arith.constant 16 : i32
            %mul3A_225 = arith.muli %scan3A_95, %mul3A_224 : i32
            %get3A_226 = arith.index_cast %scan3A_223 : i32 to index
            %get3A_227 = arith.index_cast %mul3A_225 : i32 to index
            %get3A_228 = tpu.vector_load %arg6[%get3A_226, %get3A_227] {strides = array<i32>} : memref<80x128xf32, #tpu.memory_space<vmem>>, vector<1x16xf32>,
            %get3A_229 = vector.shape_cast %get3A_228 : vector<1x16xf32> to vector<16xf32>
            %mul3A_230 = arith.mulf %get3A_229, %get3A_99 : vector<16xf32>
            %gt3A_231 = arith.cmpf ogt, %mul3A_230, %select_n3A_216 : vector<16xf32>
            %select_n3A_232 = arith.select %gt3A_231, %mul3A_230, %select_n3A_216 : vector<16xi1>, vector<16xf32>
            %broadcast_in_dim3A_233 = arith.constant 0 : i32
            %broadcast_in_dim3A_234 = vector.broadcast %broadcast_in_dim3A_233 : i32 to vector<16xi32>
            %add3A_235 = vector.broadcast %scan3A_223 : i32 to vector<16xi32>
            %add3A_236 = arith.addi %broadcast_in_dim3A_234, %add3A_235 : vector<16xi32>
            %select_n3A_237 = arith.select %gt3A_231, %add3A_236, %select_n3A_221 : vector<16xi1>, vector<16xi32>
            %scan3A_238 = arith.constant 7 : i32
            %scan3A_239 = arith.addi %scan3A_125, %scan3A_238 : i32
            %mul3A_240 = arith.constant 16 : i32
            %mul3A_241 = arith.muli %scan3A_95, %mul3A_240 : i32
            %get3A_242 = arith.index_cast %scan3A_239 : i32 to index
            %get3A_243 = arith.index_cast %mul3A_241 : i32 to index
            %get3A_244 = tpu.vector_load %arg6[%get3A_242, %get3A_243] {strides = array<i32>} : memref<80x128xf32, #tpu.memory_space<vmem>>, vector<1x16xf32>,
            %get3A_245 = vector.shape_cast %get3A_244 : vector<1x16xf32> to vector<16xf32>
            %mul3A_246 = arith.mulf %get3A_245, %get3A_99 : vector<16xf32>
            %gt3A_247 = arith.cmpf ogt, %mul3A_246, %select_n3A_232 : vector<16xf32>
            %select_n3A_248 = arith.select %gt3A_247, %mul3A_246, %select_n3A_232 : vector<16xi1>, vector<16xf32>
            %broadcast_in_dim3A_249 = arith.constant 0 : i32
            %broadcast_in_dim3A_250 = vector.broadcast %broadcast_in_dim3A_249 : i32 to vector<16xi32>
            %add3A_251 = vector.broadcast %scan3A_239 : i32 to vector<16xi32>
            %add3A_252 = arith.addi %broadcast_in_dim3A_250, %add3A_251 : vector<16xi32>
            %select_n3A_253 = arith.select %gt3A_247, %add3A_252, %select_n3A_237 : vector<16xi1>, vector<16xi32>
            scf.yield %select_n3A_248, %select_n3A_253 : vector<16xf32>, vector<16xi32>
          }
          %scan3A_108 = arith.constant 80 : i32
          %gt3A = arith.constant 5.000000e-01 : f32
          %gt3A_109 = vector.broadcast %gt3A : f32 to vector<16xf32>
          %gt3A_110 = arith.cmpf ogt, %scan3A_107#0, %gt3A_109 : vector<16xf32>
          %jit3A_111 = arith.constant 0.000000e+00 : f32
          %broadcast_in_dim3A_112 = vector.broadcast %jit3A_111 : f32 to vector<16xf32>
          %select_n3A_113 = arith.select %gt3A_110, %scan3A_107#0, %broadcast_in_dim3A_112 : vector<16xi1>, vector<16xf32>
          %mul3A_114 = arith.constant 16 : i32
          %mul3A_115 = arith.muli %scan3A_95, %mul3A_114 : i32
          %swap3A = arith.index_cast %mul3A_115 : i32 to index
          %swap3A_116 = tpu.vector_load %arg8[%swap3A] {strides = array<i32>} : memref<128xf32, #tpu.memory_space<vmem>>, vector<16xf32>,
          %swap3A_117 = vector.shape_cast %swap3A_116 : vector<16xf32> to vector<16xf32>
          %swap3A_118 = vector.shape_cast %select_n3A_113 : vector<16xf32> to vector<16xf32>
          tpu.vector_store %arg8[%swap3A], %swap3A_118 {strides = array<i32>} : memref<128xf32, #tpu.memory_space<vmem>>, vector<16xf32>,
          %mul3A_119 = arith.constant 16 : i32
          %mul3A_120 = arith.muli %scan3A_95, %mul3A_119 : i32
          %swap3A_121 = arith.index_cast %mul3A_120 : i32 to index
          %swap3A_122 = tpu.vector_load %arg9[%swap3A_121] {strides = array<i32>} : memref<128xi32, #tpu.memory_space<vmem>>, vector<16xi32>,
          %swap3A_123 = vector.shape_cast %swap3A_122 : vector<16xi32> to vector<16xi32>
          %swap3A_124 = vector.shape_cast %scan3A_107#1 : vector<16xi32> to vector<16xi32>
          tpu.vector_store %arg9[%swap3A_121], %swap3A_124 {strides = array<i32>} : memref<128xi32, #tpu.memory_space<vmem>>, vector<16xi32>,
        }
        %scan3A_94 = arith.constant 8 : i32
        "tpu.region"() ({
          %run_scoped3A = tpu.sem_alloc : memref<!tpu.dma_semaphore, #tpu.memory_space<semaphore_mem>>
          %dma_start3A = tpu.memref_slice %arg4[%select_n3A_66, %select_n3A_82, %mul3A_84] : memref<4x5x1444xf32, #tpu.memory_space<hbm>> -> memref<1x1x128xf32, #tpu.memory_space<hbm>>
          %dma_start3A_95 = tpu.memref_squeeze %dma_start3A : memref<1x1x128xf32, #tpu.memory_space<hbm>> -> memref<128xf32, #tpu.memory_space<hbm>>
          %dma_start3A_96 = tpu.memref_slice %arg4[%select_n3A_66, %select_n3A_82, %mul3A_84] : memref<4x5x1444xf32, #tpu.memory_space<hbm>> -> memref<1x1x128xf32, #tpu.memory_space<hbm>>
          %dma_start3A_97 = tpu.memref_squeeze %dma_start3A_96 : memref<1x1x128xf32, #tpu.memory_space<hbm>> -> memref<128xf32, #tpu.memory_space<hbm>>
          tpu.enqueue_dma source(%arg8 : memref<128xf32, #tpu.memory_space<vmem>>) target(%dma_start3A_97 : memref<128xf32, #tpu.memory_space<hbm>>) target_semaphore(%run_scoped3A : memref<!tpu.dma_semaphore, #tpu.memory_space<semaphore_mem>>)
          %dma_wait3A = tpu.memref_slice %arg4[%select_n3A_66, %select_n3A_82, %mul3A_84] : memref<4x5x1444xf32, #tpu.memory_space<hbm>> -> memref<1x1x128xf32, #tpu.memory_space<hbm>>
          %dma_wait3A_98 = tpu.memref_squeeze %dma_wait3A : memref<1x1x128xf32, #tpu.memory_space<hbm>> -> memref<128xf32, #tpu.memory_space<hbm>>
          %dma_wait3A_99 = tpu.memref_slice %arg4[%select_n3A_66, %select_n3A_82, %mul3A_84] : memref<4x5x1444xf32, #tpu.memory_space<hbm>> -> memref<1x1x128xf32, #tpu.memory_space<hbm>>
          %dma_wait3A_100 = tpu.memref_squeeze %dma_wait3A_99 : memref<1x1x128xf32, #tpu.memory_space<hbm>> -> memref<128xf32, #tpu.memory_space<hbm>>
          tpu.wait_dma2 semaphore(%run_scoped3A : memref<!tpu.dma_semaphore, #tpu.memory_space<semaphore_mem>>) src(%arg8 : memref<128xf32, #tpu.memory_space<vmem>>) dst(%dma_wait3A_100 : memref<128xf32, #tpu.memory_space<hbm>>)
          tpu.yield
        }) : () -> ()
        "tpu.region"() ({
          %run_scoped3A = tpu.sem_alloc : memref<!tpu.dma_semaphore, #tpu.memory_space<semaphore_mem>>
          %dma_start3A = tpu.memref_slice %arg5[%select_n3A_66, %select_n3A_82, %mul3A_84] : memref<4x5x1444xi32, #tpu.memory_space<hbm>> -> memref<1x1x128xi32, #tpu.memory_space<hbm>>
          %dma_start3A_95 = tpu.memref_squeeze %dma_start3A : memref<1x1x128xi32, #tpu.memory_space<hbm>> -> memref<128xi32, #tpu.memory_space<hbm>>
          %dma_start3A_96 = tpu.memref_slice %arg5[%select_n3A_66, %select_n3A_82, %mul3A_84] : memref<4x5x1444xi32, #tpu.memory_space<hbm>> -> memref<1x1x128xi32, #tpu.memory_space<hbm>>
          %dma_start3A_97 = tpu.memref_squeeze %dma_start3A_96 : memref<1x1x128xi32, #tpu.memory_space<hbm>> -> memref<128xi32, #tpu.memory_space<hbm>>
          tpu.enqueue_dma source(%arg9 : memref<128xi32, #tpu.memory_space<vmem>>) target(%dma_start3A_97 : memref<128xi32, #tpu.memory_space<hbm>>) target_semaphore(%run_scoped3A : memref<!tpu.dma_semaphore, #tpu.memory_space<semaphore_mem>>)
          %dma_wait3A = tpu.memref_slice %arg5[%select_n3A_66, %select_n3A_82, %mul3A_84] : memref<4x5x1444xi32, #tpu.memory_space<hbm>> -> memref<1x1x128xi32, #tpu.memory_space<hbm>>
          %dma_wait3A_98 = tpu.memref_squeeze %dma_wait3A : memref<1x1x128xi32, #tpu.memory_space<hbm>> -> memref<128xi32, #tpu.memory_space<hbm>>
          %dma_wait3A_99 = tpu.memref_slice %arg5[%select_n3A_66, %select_n3A_82, %mul3A_84] : memref<4x5x1444xi32, #tpu.memory_space<hbm>> -> memref<1x1x128xi32, #tpu.memory_space<hbm>>
          %dma_wait3A_100 = tpu.memref_squeeze %dma_wait3A_99 : memref<1x1x128xi32, #tpu.memory_space<hbm>> -> memref<128xi32, #tpu.memory_space<hbm>>
          tpu.wait_dma2 semaphore(%run_scoped3A : memref<!tpu.dma_semaphore, #tpu.memory_space<semaphore_mem>>) src(%arg9 : memref<128xi32, #tpu.memory_space<vmem>>) dst(%dma_wait3A_100 : memref<128xi32, #tpu.memory_space<hbm>>)
          tpu.yield
        }) : () -> ()
      } else {
      }
    }
    %scan3A_5 = arith.constant 7 : i32
    return
  }
}

module attributes {stable_mosaic.version = 14 : i64} {
  func.func @_tc_hi_body(%arg0: i32, %arg1: memref<1x5x1444xf32, #tpu.memory_space<vmem>>, %arg2: memref<1x5x1444xi32, #tpu.memory_space<vmem>>, %arg3: memref<1x5x80x128xf32, #tpu.memory_space<vmem>>, %arg4: memref<1x5x128xf32, #tpu.memory_space<vmem>>, %arg5: memref<1x5x4x1444xf32, #tpu.memory_space<vmem>>, %arg6: memref<5x4x1444xf32, #tpu.memory_space<vmem>>, %arg7: memref<1x5x4x1444xf32, #tpu.memory_space<vmem>>, %arg8: memref<1x5x1444xf32, #tpu.memory_space<vmem>>, %arg9: memref<1x5x1444xi32, #tpu.memory_space<vmem>>) attributes {dimension_semantics = [#tpu.dimension_semantics<parallel>], iteration_bounds = array<i64: 4>, scalar_prefetch = 0 : i64, scratch_operands = 0 : i64, tpu.core_type = #tpu.core_type<tc>, window_params = [{transform_indices = @transform_0, window_bounds = array<i64: 1, 5, 1444>}, {transform_indices = @transform_1, window_bounds = array<i64: 1, 5, 1444>}, {transform_indices = @transform_2, window_bounds = array<i64: 1, 5, 80, 128>}, {transform_indices = @transform_3, window_bounds = array<i64: 1, 5, 128>}, {transform_indices = @transform_4, window_bounds = array<i64: 1, 5, 4, 1444>}, {pipeline_mode = #tpu.pipeline_mode<synchronous>, transform_indices = @transform_5, window_bounds = array<i64: 5, 4, 1444>}, {transform_indices = @transform_6, window_bounds = array<i64: 1, 5, 4, 1444>}, {transform_indices = @transform_7, window_bounds = array<i64: 1, 5, 1444>}, {transform_indices = @transform_8, window_bounds = array<i64: 1, 5, 1444>}]} {
    %get3A = arith.constant 0 : index
    %get3A_0 = arith.constant 0 : index
    %get3A_1 = arith.constant 0 : index
    %get3A_2 = arith.constant 0 : index
    %get3A_3 = vector.load %arg3[%get3A, %get3A_0, %get3A_1, %get3A_2] : memref<1x5x80x128xf32, #tpu.memory_space<vmem>>, vector<1x5x80x128xf32>
    %get3A_4 = arith.constant 0 : index
    %get3A_5 = arith.constant 0 : index
    %get3A_6 = arith.constant 0 : index
    %get3A_7 = vector.load %arg4[%get3A_4, %get3A_5, %get3A_6] : memref<1x5x128xf32, #tpu.memory_space<vmem>>, vector<1x5x128xf32>
    %broadcast_in_dim3A = vector.shape_cast %get3A_7 : vector<1x5x128xf32> to vector<1x5x1x128xf32>
    %mul3A = vector.broadcast %broadcast_in_dim3A : vector<1x5x1x128xf32> to vector<1x5x80x128xf32>
    %mul3A_8 = arith.mulf %get3A_3, %mul3A : vector<1x5x80x128xf32>
    %reduce_max3A = arith.constant dense<0xFF800000> : vector<1x5x128xf32>
    %reduce_max3A_9 = vector.multi_reduction <maximumf>, %mul3A_8, %reduce_max3A [2] : vector<1x5x80x128xf32> to vector<1x5x128xf32>
    %iota3A = tpu.iota {dimensions = array<i32: 2>} : vector<1x5x80x128xi32>
    %convert_element_type3A = arith.sitofp %iota3A : vector<1x5x80x128xi32> to vector<1x5x80x128xf32>
    %broadcast_in_dim3A_10 = vector.shape_cast %reduce_max3A_9 : vector<1x5x128xf32> to vector<1x5x1x128xf32>
    %eq3A = vector.broadcast %broadcast_in_dim3A_10 : vector<1x5x1x128xf32> to vector<1x5x80x128xf32>
    %eq3A_11 = arith.cmpf oeq, %mul3A_8, %eq3A : vector<1x5x80x128xf32>
    %jit3A = arith.constant 1.280000e+02 : f32
    %broadcast_in_dim3A_12 = vector.broadcast %jit3A : f32 to vector<1x5x80x128xf32>
    %select_n3A = arith.select %eq3A_11, %convert_element_type3A, %broadcast_in_dim3A_12 : vector<1x5x80x128xi1>, vector<1x5x80x128xf32>
    %reduce_min3A = arith.constant dense<0x7F800000> : vector<1x5x128xf32>
    %reduce_min3A_13 = vector.multi_reduction <minimumf>, %select_n3A, %reduce_min3A [2] : vector<1x5x80x128xf32> to vector<1x5x128xf32>
    %convert_element_type3A_14 = arith.fptosi %reduce_min3A_13 : vector<1x5x128xf32> to vector<1x5x128xi32>
    %gt3A = arith.constant 5.000000e-01 : f32
    %gt3A_15 = vector.broadcast %gt3A : f32 to vector<1x5x128xf32>
    %gt3A_16 = arith.cmpf ogt, %reduce_max3A_9, %gt3A_15 : vector<1x5x128xf32>
    %jit3A_17 = arith.constant 0.000000e+00 : f32
    %broadcast_in_dim3A_18 = vector.broadcast %jit3A_17 : f32 to vector<1x5x128xf32>
    %select_n3A_19 = arith.select %gt3A_16, %reduce_max3A_9, %broadcast_in_dim3A_18 : vector<1x5x128xi1>, vector<1x5x128xf32>
    %get3A_20 = arith.constant 0 : index
    %get3A_21 = arith.constant 0 : index
    %get3A_22 = arith.constant 0 : index
    %get3A_23 = vector.load %arg1[%get3A_20, %get3A_21, %get3A_22] : memref<1x5x1444xf32, #tpu.memory_space<vmem>>, vector<1x5x1444xf32>
    %get3A_24 = arith.constant 0 : index
    %get3A_25 = arith.constant 0 : index
    %get3A_26 = arith.constant 0 : index
    %get3A_27 = vector.load %arg2[%get3A_24, %get3A_25, %get3A_26] : memref<1x5x1444xi32, #tpu.memory_space<vmem>>, vector<1x5x1444xi32>
    %slice3A = vector.extract_strided_slice %get3A_23 {offsets = [0, 0, 0], sizes = [1, 5, 1408], strides = [1, 1, 1]} : vector<1x5x1444xf32> to vector<1x5x1408xf32>
    %slice3A_28 = vector.extract_strided_slice %select_n3A_19 {offsets = [0, 0, 0], sizes = [1, 5, 36], strides = [1, 1, 1]} : vector<1x5x128xf32> to vector<1x5x36xf32>
    %concatenate3A = tpu.concatenate %slice3A, %slice3A_28 in 2 : vector<1x5x1408xf32>, vector<1x5x36xf32> -> vector<1x5x1444xf32>
    %slice3A_29 = vector.extract_strided_slice %get3A_27 {offsets = [0, 0, 0], sizes = [1, 5, 1408], strides = [1, 1, 1]} : vector<1x5x1444xi32> to vector<1x5x1408xi32>
    %slice3A_30 = vector.extract_strided_slice %convert_element_type3A_14 {offsets = [0, 0, 0], sizes = [1, 5, 36], strides = [1, 1, 1]} : vector<1x5x128xi32> to vector<1x5x36xi32>
    %concatenate3A_31 = tpu.concatenate %slice3A_29, %slice3A_30 in 2 : vector<1x5x1408xi32>, vector<1x5x36xi32> -> vector<1x5x1444xi32>
    %gt3A_32 = arith.constant 5.000000e-01 : f32
    %gt3A_33 = vector.broadcast %gt3A_32 : f32 to vector<1x5x1444xf32>
    %gt3A_34 = arith.cmpf ogt, %concatenate3A, %gt3A_33 : vector<1x5x1444xf32>
    %get3A_35 = arith.constant 0 : index
    %get3A_36 = arith.constant 0 : index
    %get3A_37 = arith.constant 0 : index
    %get3A_38 = arith.constant 0 : index
    %get3A_39 = vector.load %arg5[%get3A_35, %get3A_36, %get3A_37, %get3A_38] : memref<1x5x4x1444xf32, #tpu.memory_space<vmem>>, vector<1x5x4x1444xf32>
    %get3A_40 = arith.constant 0 : index
    %get3A_41 = arith.constant 0 : index
    %get3A_42 = arith.constant 0 : index
    %get3A_43 = vector.load %arg6[%get3A_40, %get3A_41, %get3A_42] : memref<5x4x1444xf32, #tpu.memory_space<vmem>>, vector<5x4x1444xf32>
    %slice3A_44 = vector.extract_strided_slice %get3A_39 {offsets = [0, 0, 0, 0], sizes = [1, 5, 2, 1444], strides = [1, 1, 1, 1]} : vector<1x5x4x1444xf32> to vector<1x5x2x1444xf32>
    %slice3A_45 = vector.extract_strided_slice %get3A_43 {offsets = [0, 0, 0], sizes = [5, 2, 1444], strides = [1, 1, 1]} : vector<5x4x1444xf32> to vector<5x2x1444xf32>
    %broadcast_in_dim3A_46 = vector.shape_cast %slice3A_45 : vector<5x2x1444xf32> to vector<1x5x2x1444xf32>
    %add3A = arith.addf %slice3A_44, %broadcast_in_dim3A_46 : vector<1x5x2x1444xf32>
    %slice3A_47 = vector.extract_strided_slice %get3A_39 {offsets = [0, 0, 2, 0], sizes = [1, 5, 2, 1444], strides = [1, 1, 1, 1]} : vector<1x5x4x1444xf32> to vector<1x5x2x1444xf32>
    %slice3A_48 = vector.extract_strided_slice %get3A_43 {offsets = [0, 2, 0], sizes = [5, 2, 1444], strides = [1, 1, 1]} : vector<5x4x1444xf32> to vector<5x2x1444xf32>
    %broadcast_in_dim3A_49 = vector.shape_cast %slice3A_48 : vector<5x2x1444xf32> to vector<1x5x2x1444xf32>
    %mul3A_50 = arith.mulf %slice3A_47, %broadcast_in_dim3A_49 : vector<1x5x2x1444xf32>
    %div3A = arith.constant 2.000000e+00 : f32
    %div3A_51 = vector.broadcast %div3A : f32 to vector<1x5x2x1444xf32>
    %div3A_52 = arith.divf %mul3A_50, %div3A_51 : vector<1x5x2x1444xf32>
    %sub3A = arith.subf %add3A, %div3A_52 : vector<1x5x2x1444xf32>
    %div3A_53 = arith.constant 2.000000e+00 : f32
    %div3A_54 = vector.broadcast %div3A_53 : f32 to vector<1x5x2x1444xf32>
    %div3A_55 = arith.divf %mul3A_50, %div3A_54 : vector<1x5x2x1444xf32>
    %add3A_56 = arith.addf %add3A, %div3A_55 : vector<1x5x2x1444xf32>
    %concatenate3A_57 = tpu.concatenate %sub3A, %add3A_56 in 2 : vector<1x5x2x1444xf32>, vector<1x5x2x1444xf32> -> vector<1x5x4x1444xf32>
    %div3A_58 = arith.constant 3.800000e+01 : f32
    %div3A_59 = vector.broadcast %div3A_58 : f32 to vector<1x5x4x1444xf32>
    %div3A_60 = arith.divf %concatenate3A_57, %div3A_59 : vector<1x5x4x1444xf32>
    %broadcast_in_dim3A_61 = vector.shape_cast %gt3A_34 : vector<1x5x1444xi1> to vector<1x5x1x1444xi1>
    %jit3A_62 = arith.constant 0.000000e+00 : f32
    %broadcast_in_dim3A_63 = vector.shape_cast %broadcast_in_dim3A_61 : vector<1x5x1x1444xi1> to vector<1x5x1x1444xi1>
    %broadcast_in_dim3A_64 = vector.broadcast %broadcast_in_dim3A_63 : vector<1x5x1x1444xi1> to vector<1x5x4x1444xi1>
    %broadcast_in_dim3A_65 = vector.broadcast %jit3A_62 : f32 to vector<1x5x4x1444xf32>
    %select_n3A_66 = arith.select %broadcast_in_dim3A_64, %div3A_60, %broadcast_in_dim3A_65 : vector<1x5x4x1444xi1>, vector<1x5x4x1444xf32>
    %swap3A = arith.constant 0 : index
    %swap3A_67 = arith.constant 0 : index
    %swap3A_68 = arith.constant 0 : index
    %swap3A_69 = arith.constant 0 : index
    %swap3A_70 = vector.load %arg7[%swap3A, %swap3A_67, %swap3A_68, %swap3A_69] : memref<1x5x4x1444xf32, #tpu.memory_space<vmem>>, vector<1x5x4x1444xf32>
    tpu.vector_store %arg7[%swap3A, %swap3A_67, %swap3A_68, %swap3A_69], %select_n3A_66 {strides = array<i32>} : memref<1x5x4x1444xf32, #tpu.memory_space<vmem>>, vector<1x5x4x1444xf32>,
    %swap3A_71 = arith.constant 0 : index
    %swap3A_72 = arith.constant 0 : index
    %swap3A_73 = arith.constant 0 : index
    %swap3A_74 = vector.load %arg8[%swap3A_71, %swap3A_72, %swap3A_73] : memref<1x5x1444xf32, #tpu.memory_space<vmem>>, vector<1x5x1444xf32>
    tpu.vector_store %arg8[%swap3A_71, %swap3A_72, %swap3A_73], %concatenate3A {strides = array<i32>} : memref<1x5x1444xf32, #tpu.memory_space<vmem>>, vector<1x5x1444xf32>,
    %swap3A_75 = arith.constant 0 : index
    %swap3A_76 = arith.constant 0 : index
    %swap3A_77 = arith.constant 0 : index
    %swap3A_78 = vector.load %arg9[%swap3A_75, %swap3A_76, %swap3A_77] : memref<1x5x1444xi32, #tpu.memory_space<vmem>>, vector<1x5x1444xi32>
    tpu.vector_store %arg9[%swap3A_75, %swap3A_76, %swap3A_77], %concatenate3A_31 {strides = array<i32>} : memref<1x5x1444xi32, #tpu.memory_space<vmem>>, vector<1x5x1444xi32>,
    return
  }
  func.func @transform_0(%arg0: i32) -> (i32, i32, i32) {
    %c0_i32 = arith.constant 0 : i32
    %c0_i32_0 = arith.constant 0 : i32
    %c0_i32_1 = arith.constant 0 : i32
    return %arg0, %c0_i32, %c0_i32_0 : i32, i32, i32
  }
  func.func @transform_1(%arg0: i32) -> (i32, i32, i32) {
    %c0_i32 = arith.constant 0 : i32
    %c0_i32_0 = arith.constant 0 : i32
    %c0_i32_1 = arith.constant 0 : i32
    return %arg0, %c0_i32, %c0_i32_0 : i32, i32, i32
  }
  func.func @transform_2(%arg0: i32) -> (i32, i32, i32, i32) {
    %add3A = arith.constant 12 : i32
    %add3A_0 = arith.addi %arg0, %add3A : i32
    %c0_i32 = arith.constant 0 : i32
    %c0_i32_1 = arith.constant 0 : i32
    %c11_i32 = arith.constant 11 : i32
    %c0_i32_2 = arith.constant 0 : i32
    return %add3A_0, %c0_i32, %c0_i32_1, %c11_i32 : i32, i32, i32, i32
  }
  func.func @transform_3(%arg0: i32) -> (i32, i32, i32) {
    %add3A = arith.constant 12 : i32
    %add3A_0 = arith.addi %arg0, %add3A : i32
    %c0_i32 = arith.constant 0 : i32
    %c11_i32 = arith.constant 11 : i32
    %c0_i32_1 = arith.constant 0 : i32
    return %add3A_0, %c0_i32, %c11_i32 : i32, i32, i32
  }
  func.func @transform_4(%arg0: i32) -> (i32, i32, i32, i32) {
    %add3A = arith.constant 12 : i32
    %add3A_0 = arith.addi %arg0, %add3A : i32
    %c0_i32 = arith.constant 0 : i32
    %c0_i32_1 = arith.constant 0 : i32
    %c0_i32_2 = arith.constant 0 : i32
    %c0_i32_3 = arith.constant 0 : i32
    return %add3A_0, %c0_i32, %c0_i32_1, %c0_i32_2 : i32, i32, i32, i32
  }
  func.func @transform_5(%arg0: i32) -> (i32, i32, i32) {
    %c0_i32 = arith.constant 0 : i32
    %c0_i32_0 = arith.constant 0 : i32
    %c0_i32_1 = arith.constant 0 : i32
    %c0_i32_2 = arith.constant 0 : i32
    return %c0_i32, %c0_i32_0, %c0_i32_1 : i32, i32, i32
  }
  func.func @transform_6(%arg0: i32) -> (i32, i32, i32, i32) {
    %c0_i32 = arith.constant 0 : i32
    %c0_i32_0 = arith.constant 0 : i32
    %c0_i32_1 = arith.constant 0 : i32
    %c0_i32_2 = arith.constant 0 : i32
    return %arg0, %c0_i32, %c0_i32_0, %c0_i32_1 : i32, i32, i32, i32
  }
  func.func @transform_7(%arg0: i32) -> (i32, i32, i32) {
    %c0_i32 = arith.constant 0 : i32
    %c0_i32_0 = arith.constant 0 : i32
    %c0_i32_1 = arith.constant 0 : i32
    return %arg0, %c0_i32, %c0_i32_0 : i32, i32, i32
  }
  func.func @transform_8(%arg0: i32) -> (i32, i32, i32) {
    %c0_i32 = arith.constant 0 : i32
    %c0_i32_0 = arith.constant 0 : i32
    %c0_i32_1 = arith.constant 0 : i32
    return %arg0, %c0_i32, %c0_i32_0 : i32, i32, i32
  }
}

module attributes {stable_mosaic.version = 14 : i64} {
  func.func @_tc_lo_body(%arg0: i32, %arg1: memref<1x5x80x1444xf32, #tpu.memory_space<vmem>>, %arg2: memref<1x5x1444xf32, #tpu.memory_space<vmem>>, %arg3: memref<1x5x4x1444xf32, #tpu.memory_space<vmem>>, %arg4: memref<5x4x1444xf32, #tpu.memory_space<vmem>>, %arg5: memref<1x5x4x1444xf32, #tpu.memory_space<vmem>>, %arg6: memref<1x5x1444xf32, #tpu.memory_space<vmem>>, %arg7: memref<1x5x1444xi32, #tpu.memory_space<vmem>>) attributes {dimension_semantics = [#tpu.dimension_semantics<parallel>], iteration_bounds = array<i64: 12>, scalar_prefetch = 0 : i64, scratch_operands = 0 : i64, tpu.core_type = #tpu.core_type<tc>, window_params = [{transform_indices = @transform_0, window_bounds = array<i64: 1, 5, 80, 1444>}, {transform_indices = @transform_1, window_bounds = array<i64: 1, 5, 1444>}, {transform_indices = @transform_2, window_bounds = array<i64: 1, 5, 4, 1444>}, {pipeline_mode = #tpu.pipeline_mode<synchronous>, transform_indices = @transform_3, window_bounds = array<i64: 5, 4, 1444>}, {transform_indices = @transform_4, window_bounds = array<i64: 1, 5, 4, 1444>}, {transform_indices = @transform_5, window_bounds = array<i64: 1, 5, 1444>}, {transform_indices = @transform_6, window_bounds = array<i64: 1, 5, 1444>}]} {
    %get3A = arith.constant 0 : index
    %get3A_0 = arith.constant 0 : index
    %get3A_1 = arith.constant 0 : index
    %get3A_2 = arith.constant 0 : index
    %get3A_3 = vector.load %arg1[%get3A, %get3A_0, %get3A_1, %get3A_2] : memref<1x5x80x1444xf32, #tpu.memory_space<vmem>>, vector<1x5x80x1444xf32>
    %get3A_4 = arith.constant 0 : index
    %get3A_5 = arith.constant 0 : index
    %get3A_6 = arith.constant 0 : index
    %get3A_7 = vector.load %arg2[%get3A_4, %get3A_5, %get3A_6] : memref<1x5x1444xf32, #tpu.memory_space<vmem>>, vector<1x5x1444xf32>
    %broadcast_in_dim3A = vector.shape_cast %get3A_7 : vector<1x5x1444xf32> to vector<1x5x1x1444xf32>
    %mul3A = vector.broadcast %broadcast_in_dim3A : vector<1x5x1x1444xf32> to vector<1x5x80x1444xf32>
    %mul3A_8 = arith.mulf %get3A_3, %mul3A : vector<1x5x80x1444xf32>
    %reduce_max3A = arith.constant dense<0xFF800000> : vector<1x5x1444xf32>
    %reduce_max3A_9 = vector.multi_reduction <maximumf>, %mul3A_8, %reduce_max3A [2] : vector<1x5x80x1444xf32> to vector<1x5x1444xf32>
    %iota3A = tpu.iota {dimensions = array<i32: 2>} : vector<1x5x80x1444xi32>
    %convert_element_type3A = arith.sitofp %iota3A : vector<1x5x80x1444xi32> to vector<1x5x80x1444xf32>
    %broadcast_in_dim3A_10 = vector.shape_cast %reduce_max3A_9 : vector<1x5x1444xf32> to vector<1x5x1x1444xf32>
    %eq3A = vector.broadcast %broadcast_in_dim3A_10 : vector<1x5x1x1444xf32> to vector<1x5x80x1444xf32>
    %eq3A_11 = arith.cmpf oeq, %mul3A_8, %eq3A : vector<1x5x80x1444xf32>
    %jit3A = arith.constant 1.280000e+02 : f32
    %broadcast_in_dim3A_12 = vector.broadcast %jit3A : f32 to vector<1x5x80x1444xf32>
    %select_n3A = arith.select %eq3A_11, %convert_element_type3A, %broadcast_in_dim3A_12 : vector<1x5x80x1444xi1>, vector<1x5x80x1444xf32>
    %reduce_min3A = arith.constant dense<0x7F800000> : vector<1x5x1444xf32>
    %reduce_min3A_13 = vector.multi_reduction <minimumf>, %select_n3A, %reduce_min3A [2] : vector<1x5x80x1444xf32> to vector<1x5x1444xf32>
    %convert_element_type3A_14 = arith.fptosi %reduce_min3A_13 : vector<1x5x1444xf32> to vector<1x5x1444xi32>
    %gt3A = arith.constant 5.000000e-01 : f32
    %gt3A_15 = vector.broadcast %gt3A : f32 to vector<1x5x1444xf32>
    %gt3A_16 = arith.cmpf ogt, %reduce_max3A_9, %gt3A_15 : vector<1x5x1444xf32>
    %get3A_17 = arith.constant 0 : index
    %get3A_18 = arith.constant 0 : index
    %get3A_19 = arith.constant 0 : index
    %get3A_20 = arith.constant 0 : index
    %get3A_21 = vector.load %arg3[%get3A_17, %get3A_18, %get3A_19, %get3A_20] : memref<1x5x4x1444xf32, #tpu.memory_space<vmem>>, vector<1x5x4x1444xf32>
    %get3A_22 = arith.constant 0 : index
    %get3A_23 = arith.constant 0 : index
    %get3A_24 = arith.constant 0 : index
    %get3A_25 = vector.load %arg4[%get3A_22, %get3A_23, %get3A_24] : memref<5x4x1444xf32, #tpu.memory_space<vmem>>, vector<5x4x1444xf32>
    %slice3A = vector.extract_strided_slice %get3A_21 {offsets = [0, 0, 0, 0], sizes = [1, 5, 2, 1444], strides = [1, 1, 1, 1]} : vector<1x5x4x1444xf32> to vector<1x5x2x1444xf32>
    %slice3A_26 = vector.extract_strided_slice %get3A_25 {offsets = [0, 0, 0], sizes = [5, 2, 1444], strides = [1, 1, 1]} : vector<5x4x1444xf32> to vector<5x2x1444xf32>
    %broadcast_in_dim3A_27 = vector.shape_cast %slice3A_26 : vector<5x2x1444xf32> to vector<1x5x2x1444xf32>
    %add3A = arith.addf %slice3A, %broadcast_in_dim3A_27 : vector<1x5x2x1444xf32>
    %slice3A_28 = vector.extract_strided_slice %get3A_21 {offsets = [0, 0, 2, 0], sizes = [1, 5, 2, 1444], strides = [1, 1, 1, 1]} : vector<1x5x4x1444xf32> to vector<1x5x2x1444xf32>
    %slice3A_29 = vector.extract_strided_slice %get3A_25 {offsets = [0, 2, 0], sizes = [5, 2, 1444], strides = [1, 1, 1]} : vector<5x4x1444xf32> to vector<5x2x1444xf32>
    %broadcast_in_dim3A_30 = vector.shape_cast %slice3A_29 : vector<5x2x1444xf32> to vector<1x5x2x1444xf32>
    %mul3A_31 = arith.mulf %slice3A_28, %broadcast_in_dim3A_30 : vector<1x5x2x1444xf32>
    %div3A = arith.constant 2.000000e+00 : f32
    %div3A_32 = vector.broadcast %div3A : f32 to vector<1x5x2x1444xf32>
    %div3A_33 = arith.divf %mul3A_31, %div3A_32 : vector<1x5x2x1444xf32>
    %sub3A = arith.subf %add3A, %div3A_33 : vector<1x5x2x1444xf32>
    %div3A_34 = arith.constant 2.000000e+00 : f32
    %div3A_35 = vector.broadcast %div3A_34 : f32 to vector<1x5x2x1444xf32>
    %div3A_36 = arith.divf %mul3A_31, %div3A_35 : vector<1x5x2x1444xf32>
    %add3A_37 = arith.addf %add3A, %div3A_36 : vector<1x5x2x1444xf32>
    %concatenate3A = tpu.concatenate %sub3A, %add3A_37 in 2 : vector<1x5x2x1444xf32>, vector<1x5x2x1444xf32> -> vector<1x5x4x1444xf32>
    %div3A_38 = arith.constant 3.800000e+01 : f32
    %div3A_39 = vector.broadcast %div3A_38 : f32 to vector<1x5x4x1444xf32>
    %div3A_40 = arith.divf %concatenate3A, %div3A_39 : vector<1x5x4x1444xf32>
    %broadcast_in_dim3A_41 = vector.shape_cast %gt3A_16 : vector<1x5x1444xi1> to vector<1x5x1x1444xi1>
    %jit3A_42 = arith.constant 0.000000e+00 : f32
    %broadcast_in_dim3A_43 = vector.shape_cast %broadcast_in_dim3A_41 : vector<1x5x1x1444xi1> to vector<1x5x1x1444xi1>
    %broadcast_in_dim3A_44 = vector.broadcast %broadcast_in_dim3A_43 : vector<1x5x1x1444xi1> to vector<1x5x4x1444xi1>
    %broadcast_in_dim3A_45 = vector.broadcast %jit3A_42 : f32 to vector<1x5x4x1444xf32>
    %select_n3A_46 = arith.select %broadcast_in_dim3A_44, %div3A_40, %broadcast_in_dim3A_45 : vector<1x5x4x1444xi1>, vector<1x5x4x1444xf32>
    %swap3A = arith.constant 0 : index
    %swap3A_47 = arith.constant 0 : index
    %swap3A_48 = arith.constant 0 : index
    %swap3A_49 = arith.constant 0 : index
    %swap3A_50 = vector.load %arg5[%swap3A, %swap3A_47, %swap3A_48, %swap3A_49] : memref<1x5x4x1444xf32, #tpu.memory_space<vmem>>, vector<1x5x4x1444xf32>
    tpu.vector_store %arg5[%swap3A, %swap3A_47, %swap3A_48, %swap3A_49], %select_n3A_46 {strides = array<i32>} : memref<1x5x4x1444xf32, #tpu.memory_space<vmem>>, vector<1x5x4x1444xf32>,
    %jit3A_51 = arith.constant 0.000000e+00 : f32
    %broadcast_in_dim3A_52 = vector.broadcast %jit3A_51 : f32 to vector<1x5x1444xf32>
    %select_n3A_53 = arith.select %gt3A_16, %reduce_max3A_9, %broadcast_in_dim3A_52 : vector<1x5x1444xi1>, vector<1x5x1444xf32>
    %swap3A_54 = arith.constant 0 : index
    %swap3A_55 = arith.constant 0 : index
    %swap3A_56 = arith.constant 0 : index
    %swap3A_57 = vector.load %arg6[%swap3A_54, %swap3A_55, %swap3A_56] : memref<1x5x1444xf32, #tpu.memory_space<vmem>>, vector<1x5x1444xf32>
    tpu.vector_store %arg6[%swap3A_54, %swap3A_55, %swap3A_56], %select_n3A_53 {strides = array<i32>} : memref<1x5x1444xf32, #tpu.memory_space<vmem>>, vector<1x5x1444xf32>,
    %swap3A_58 = arith.constant 0 : index
    %swap3A_59 = arith.constant 0 : index
    %swap3A_60 = arith.constant 0 : index
    %swap3A_61 = vector.load %arg7[%swap3A_58, %swap3A_59, %swap3A_60] : memref<1x5x1444xi32, #tpu.memory_space<vmem>>, vector<1x5x1444xi32>
    tpu.vector_store %arg7[%swap3A_58, %swap3A_59, %swap3A_60], %convert_element_type3A_14 {strides = array<i32>} : memref<1x5x1444xi32, #tpu.memory_space<vmem>>, vector<1x5x1444xi32>,
    return
  }
  func.func @transform_0(%arg0: i32) -> (i32, i32, i32, i32) {
    %c0_i32 = arith.constant 0 : i32
    %c0_i32_0 = arith.constant 0 : i32
    %c0_i32_1 = arith.constant 0 : i32
    %c0_i32_2 = arith.constant 0 : i32
    return %arg0, %c0_i32, %c0_i32_0, %c0_i32_1 : i32, i32, i32, i32
  }
  func.func @transform_1(%arg0: i32) -> (i32, i32, i32) {
    %c0_i32 = arith.constant 0 : i32
    %c0_i32_0 = arith.constant 0 : i32
    %c0_i32_1 = arith.constant 0 : i32
    return %arg0, %c0_i32, %c0_i32_0 : i32, i32, i32
  }
  func.func @transform_2(%arg0: i32) -> (i32, i32, i32, i32) {
    %c0_i32 = arith.constant 0 : i32
    %c0_i32_0 = arith.constant 0 : i32
    %c0_i32_1 = arith.constant 0 : i32
    %c0_i32_2 = arith.constant 0 : i32
    return %arg0, %c0_i32, %c0_i32_0, %c0_i32_1 : i32, i32, i32, i32
  }
  func.func @transform_3(%arg0: i32) -> (i32, i32, i32) {
    %c0_i32 = arith.constant 0 : i32
    %c0_i32_0 = arith.constant 0 : i32
    %c0_i32_1 = arith.constant 0 : i32
    %c0_i32_2 = arith.constant 0 : i32
    return %c0_i32, %c0_i32_0, %c0_i32_1 : i32, i32, i32
  }
  func.func @transform_4(%arg0: i32) -> (i32, i32, i32, i32) {
    %c0_i32 = arith.constant 0 : i32
    %c0_i32_0 = arith.constant 0 : i32
    %c0_i32_1 = arith.constant 0 : i32
    %c0_i32_2 = arith.constant 0 : i32
    return %arg0, %c0_i32, %c0_i32_0, %c0_i32_1 : i32, i32, i32, i32
  }
  func.func @transform_5(%arg0: i32) -> (i32, i32, i32) {
    %c0_i32 = arith.constant 0 : i32
    %c0_i32_0 = arith.constant 0 : i32
    %c0_i32_1 = arith.constant 0 : i32
    return %arg0, %c0_i32, %c0_i32_0 : i32, i32, i32
  }
  func.func @transform_6(%arg0: i32) -> (i32, i32, i32) {
    %c0_i32 = arith.constant 0 : i32
    %c0_i32_0 = arith.constant 0 : i32
    %c0_i32_1 = arith.constant 0 : i32
    return %arg0, %c0_i32, %c0_i32_0 : i32, i32, i32
  }
}

</mosaic_0001>

<sc_bundles>
// kernel: kernel.5.cloned.1.call-start
scs
__scs_entry_jumppad:
0x0: {  	(pc) =	sbr.rel $0x88, $3  }
0x1: {  	(tag) =	ssettag $0x0;
	lr =	simm.s32 $0x1  }
0x2: {  	[smem:$0x3F9D] =	sst lr;
	_ =	strace $0xD0000000  }
0x3: {  	_ = 	snop  }
0x4: {  	_ = 	snop  }
0x5: {  	_ = 	snop  }
0x6: {  	_ = 	snop  }
0x7: {  	_ = 	snop  }
__scs_overlays_trampoline_lowered:
0x8: {  	[smem:$0x3FAC] =	sst s0  }
0x9: {  	[smem:$0x3FAD] =	sst s1  }
0xa: {  	[smem:$0x3FAE] =	sst s2  }
0xb: {  	[smem:$0x3FAF] =	sst s3  }
0xc: {  	[smem:$0x3FB0] =	sst s4  }
0xd: {  	[smem:$0x3FB1] =	sst s5  }
0xe: {  	[smem:$0x3FB2] =	sst s6  }
0xf: {  	[smem:$0x3FB3] =	sst s7  }
0x10: {  	[smem:$0x3FB4] =	sst s8  }
0x11: {  	[smem:$0x3FB5] =	sst s9;
	s0 =	simm.s32 @!p0 $0x0  }
0x12: {  	s1 =	sld [smem:$0x3F9B];
	s0 =	simm.s32 @p0 $0x1  }
0x13: {  	[smem:$0x3FB6] =	sst s0;
	s0 =	simm.s32 @!p1 $0x0  }
0x14: {  	s2 =	sld [smem:$0x3F9A];
	s0 =	simm.s32 @p1 $0x1  }
0x15: {  	[smem:$0x3FB7] =	sst s0;
	s0 =	simm.s32 @!p2 $0x0  }
0x16: {  	s3 =	sld [smem:$0x3FDB];
	s0 =	simm.s32 @p2 $0x1  }
0x17: {  	s4 =	simm.s32 $0x1BF5;
	[smem:$0x3FB9] =	sst s0  }
0x18: {  	s0 =	sld [smem:$0x3F9C];
	_ =	swait.ge [sflag:s4], $0x0  }
0x19: {  	s7 =	sld [smem:$0x3F9D]  }
0x1a: {  	s8 =	sadd.s32 $0xFFFFE003, lr  }
0x1b: {  	s9 =	sadd.s32 $0xFFFFFEF7, lr;
	s5 =	simm.s32 $0xFFFFFFFF;
	p2 =	slt.u32 s8, $0xFFFFF086  }
0x1c: {  	p1 =	slt.u32 s9, $0xF7A;
	s5 =	simm.s32 @!p2 $0x0  }
0x1d: {  	s5 =	simm.s32 @p1 $0x1;
	p0 =	seq.s32 s7, s2  }
0x1e: {  	s7 =	smul.u32 @!p0 $0xF7A, s2;
	p2 =	seq.s32 @!p0 s5, $0x0  }
0x1f: {  	s9 =	smul.u32 $0xF7A, s1;
	s8 =	simm.s32 @!p0 $0x1BF5;
	p2 =	por !p2, p0  }
0x20: {  	[sflag:s8] =	ssyncset.s32 @!p0 $0xFFFFF086;
	s6 =	sadd.s32 @!p0 s3, s7;
	s7 =	simm.s32 @!p0 $0x108  }
0x21: {  	s3 =	sadd.s32 s3, s9;
	s6 =	sadd.s32 @!p0 $0x88, s6;
	s7 =	simm.s32 @p2 $0x1082  }
0x22: {  	[simem:s7], [sflag:s8] =	dma.local @!p0 [hbm:s6], $0xF7A  }
0x23: {  	s9 =	sor.u32 $0xD0000000, s2;
	s6 =	simm.s32 $0x108;
	_ =	swait.ge @!p0 [sflag:s8], $0x0  }
0x24: {  	s3 =	sadd.s32 $0x88, s3;
	s6 =	simm.s32 @!p1 $0x1082;
	[sflag:s4] =	ssyncset.s32 $0xFFFFF086  }
0x25: {  	[simem:s6], [sflag:s4] =	dma.local [hbm:s3], $0xF7A  }
0x26: {  	[smem:$0x3F9D] =	sst s1;
	(tag) =	ssettag s2;
	_ =	strace s9  }
0x27: {  	s1 =	sld [smem:$0x3FAD]  }
0x28: {  	s2 =	sld [smem:$0x3FAE]  }
0x29: {  	s4 =	sld [smem:$0x3FB0]  }
0x2a: {  	p0 =	seq.s32 s5, $0x0;
	s5 =	sld [smem:$0x3FB1]  }
0x2b: {  	s6 =	sld [smem:$0x3FB2]  }
0x2c: {  	s7 =	sld [smem:$0x3FB3]  }
0x2d: {  	s3 =	simm.s32 $0x108;
	s8 =	sld [smem:$0x3FB4]  }
0x2e: {  	s3 =	simm.s32 @!p0 $0x1082;
	s9 =	sld [smem:$0x3FB5]  }
0x2f: {  	lr =	sadd.s32 s0, s3;
	s0 =	sld [smem:$0x3FAC]  }
0x30: {  	s3 =	sld [smem:$0x3FAF]  }
0x31: {  	[smem:$0x3FB8] =	sst s10  }
0x32: {  	s10 =	sld [smem:$0x3FB6];
	_ =	sdelay $0x3  }
0x33: {  	p0 =	seq.s32 s10, $0x1;
	s10 =	sld [smem:$0x3FB8];
	_ =	sdelay $0x3  }
0x34: {  	[smem:$0x3FB8] =	sst s10  }
0x35: {  	s10 =	sld [smem:$0x3FB7];
	_ =	sdelay $0x3  }
0x36: {  	p1 =	seq.s32 s10, $0x1;
	s10 =	sld [smem:$0x3FB8];
	_ =	sdelay $0x3  }
0x37: {  	[smem:$0x3FB8] =	sst s10  }
0x38: {  	s10 =	sld [smem:$0x3FB9]  }
0x39: {  	_ = 	snop;
	(pc) =	sbr.ind lr, $3  }
0x3a: {  	_ = 	snop  }
0x3b: {  	_ = 	snop  }
0x3c: {  	p2 =	seq.s32 s10, $0x1;
	s10 =	sld [smem:$0x3FB8]  }
0x3d: {  	_ =	shalt  }
0x3e: {  	_ =	shalt  }
0x3f: {  	_ =	shalt  }
0x40: {  	_ =	shalt  }
0x41: {  	_ =	shalt  }
0x42: {  	_ =	shalt  }
0x43: {  	_ =	shalt  }
0x44: {  	_ =	shalt  }
0x45: {  	_ =	shalt  }
0x46: {  	_ =	shalt  }
0x47: {  	_ =	shalt  }
0x48: {  	_ =	shalt  }
0x49: {  	_ =	shalt  }
0x4a: {  	_ =	shalt  }
0x4b: {  	_ =	shalt  }
0x4c: {  	_ =	shalt  }
0x4d: {  	_ =	shalt  }
0x4e: {  	_ =	shalt  }
0x4f: {  	_ =	shalt  }
0x50: {  	_ =	shalt  }
0x51: {  	_ =	shalt  }
0x52: {  	_ =	shalt  }
0x53: {  	_ =	shalt  }
0x54: {  	_ =	shalt  }
0x55: {  	_ =	shalt  }
0x56: {  	_ =	shalt  }
0x57: {  	_ =	shalt  }
0x58: {  	_ =	shalt  }
0x59: {  	_ =	shalt  }
0x5a: {  	_ =	shalt  }
0x5b: {  	_ =	shalt  }
0x5c: {  	_ =	shalt  }
0x5d: {  	_ =	shalt  }
0x5e: {  	_ =	shalt  }
0x5f: {  	_ =	shalt  }
0x60: {  	_ =	shalt  }
0x61: {  	_ =	shalt  }
0x62: {  	_ =	shalt  }
0x63: {  	_ =	shalt  }
0x64: {  	_ =	shalt  }
0x65: {  	_ =	shalt  }
0x66: {  	_ =	shalt  }
0x67: {  	_ =	shalt  }
0x68: {  	_ =	shalt  }
0x69: {  	_ =	shalt  }
0x6a: {  	_ =	shalt  }
0x6b: {  	_ =	shalt  }
0x6c: {  	_ =	shalt  }
0x6d: {  	_ =	shalt  }
0x6e: {  	_ =	shalt  }
0x6f: {  	_ =	shalt  }
0x70: {  	_ =	shalt  }
0x71: {  	_ =	shalt  }
0x72: {  	_ =	shalt  }
0x73: {  	_ =	shalt  }
0x74: {  	_ =	shalt  }
0x75: {  	_ =	shalt  }
0x76: {  	_ =	shalt  }
0x77: {  	_ =	shalt  }
0x78: {  	_ =	shalt  }
0x79: {  	_ =	shalt  }
0x7a: {  	_ =	shalt  }
0x7b: {  	_ =	shalt  }
0x7c: {  	_ =	shalt  }
0x7d: {  	_ =	shalt  }
0x7e: {  	_ =	shalt  }
0x7f: {  	_ =	shalt  }
0x80: {  	_ =	shalt  }
0x81: {  	_ =	shalt  }
0x82: {  	_ =	shalt  }
0x83: {  	_ =	shalt  }
0x84: {  	_ =	shalt  }
0x85: {  	_ =	shalt  }
0x86: {  	_ =	shalt  }
0x87: {  	_ =	shalt  }
.Lfunc_end0:
.L_simem_size_0:
called_computation_lowered:
.L_overlay_start_0:
0x88: {  	s2 =	sld [smem:$0x3FD9]  }
0x89: {  	s3 =	sld [smem:$0x3FFE];
	_ =	sdelay $0x1  }
0x8a: {  	s1 =	srdreg.scid  }
0x8b: {  	s0 =	sand.u32 $0x1, s1  }
0x8c: {  	s15 =	sshll.u32 s0, $0xA;
	s2 =	sadd.s32 s3, s2  }
0x8d: {  	s2 =	sadd.s32 s2, s15  }
0x8e: {  	[smem:$0x3FC4] =	sst s2  }
0x8f: {  	_ = 	snop  }
0x90: {  	s2 =	sld [smem:$0x3FD0];
	_ =	sdelay $0x2  }
0x91: {  	s4 =	simm.s32 $0xA;
	s5 =	simm.s32 $0x10;
	s16 =	sld [smem:$0x3FC7]  }
0x92: {  	[smem:s5], [sflag:s4] =	dma.local [hbm:s2], $0x1  }
0x93: {  	_ =	swait.eq [sflag:s4], $0x1  }
0x94: {  	s17 =	sld [smem:$0x10];
	[sflag:s4] =	ssyncset.done $0x0  }
0x95: {  	s18 =	sld [smem:$0x11];
	[sflag:s4] =	ssyncadd.s32 $0xFFFFFFFF  }
0x96: {  	s19 =	sld [smem:$0x12];
	(tm) =	ssettm $0x1  }
0x97: {  	s6 =	sld [smem:$0x3FFB];
	_ =	sdelay $0x3  }
0x98: {  	_ =	strace s6  }
0x99: {  	s6 =	sld [smem:$0x3FFC];
	_ =	sdelay $0x3  }
0x9a: {  	_ =	strace s6  }
0x9b: {  	s6 =	sld [smem:$0x3FFD];
	_ =	sdelay $0x3  }
0x9c: {  	_ =	strace s6  }
0x9d: {  	_ =	strace $0x8FFFFFFF  }
0x9e: {  	s20 =	sld [smem:$0x3FDB];
	_ =	sdelay $0x1  }
0x9f: {  	s7 =	simm.s32 $_scs_section_size  }
0xa0: {  	s8 =	simm.s32 $_size__tile_overlayer_lowered;
	s9 =	simm.s32 $_tile_overlayer_lowered  }
0xa1: {  	s23 =	simm.s32 $0x1BFF;
	s22 =	sshll.u32 s9, $0x1;
	s6 =	sadd.s32 s7, s20  }
0xa2: {  	s10 =	simm.s32 $0x0;
	s21 =	sshll.u32 s8, $0x1;
	s8 =	sadd.s32 s22, s6  }
0xa3: {  	[timem:s10], [sflag:s23] =	dma.local [hbm:s8], s21  }
0xa4: {  	_ =	swait.ge [sflag:s23], s21  }
0xa5: {  	s7 =	ssub.s32 $0x0, s21;
	[sflag:s23] =	ssyncset.done $0x0  }
0xa6: {  	[sflag:s23] =	ssyncadd.s32 s7;
	_ =	sdelay $0x1  }
0xa7: {  	s24 =	simm.s32 $0x1B8B  }
0xa8: {  	_ =	swait.ge [sflag:s24], $0x1  }
0xa9: {  	[sflag:s24] =	ssyncset.done $0x0  }
0xaa: {  	s25 =	simm.s32 $0x1B8E;
	[sflag:s24] =	ssyncadd.s32 $0xFFFFFFFF  }
0xab: {  	s26 =	simm.s32 $execute0_lowered;
	[smem:$0x3FD2] =	sst s25  }
0xac: {  	s7 =	sshll.u32 s26, $0x1;
	_ =	strace $0x80000046;
	[dreg:$0x1] =	wrdreg $0xFFFFFFFF  }
0xad: {  	s28 =	simm.s32 $_size_execute0_lowered;
	s6 =	sadd.s32 s6, s7;
	[dreg:$0x0] =	wrdreg $0x0  }
0xae: {  	s7 =	sshll.u32 s28, $0x1;
	[dreg:$0x2] =	wrdreg s6  }
0xaf: {  	[dreg:$0x3] =	wrdreg s7  }
0xb0: {  	[dreg:$0x4] =	wrdreg $0xC0  }
0xb1: {  	_ =	task [dreg:s10], $0x5FFFF  }
0xb2: {  	[dreg:$0x1] =	wrdreg $0xFFFFFFFF  }
0xb3: {  	[dreg:$0x0] =	wrdreg $0x60  }
0xb4: {  	[dreg:$0x2] =	wrdreg s16  }
0xb5: {  	[dreg:$0x3] =	wrdreg s17  }
0xb6: {  	[dreg:$0x4] =	wrdreg s19  }
0xb7: {  	[dreg:$0x5] =	wrdreg s18  }
0xb8: {  	[dreg:$0x6] =	wrdreg $0x9  }
0xb9: {  	_ =	task.clear_ibuf [dreg:s10], $0x7FFFF;
	_ =	strace $0x90000046  }
0xba: {  	s29 =	simm.s32 $0x9;
	_ =	strace $0x80000048  }
0xbb: {  	_ =	swait.ge [sflag:s29], $0x1  }
0xbc: {  	[sflag:s29] =	ssyncadd.s32 $0xFFFFFFFF  }
0xbd: {  	_ =	strace $0x90000048  }
0xbe: {  	_ =	sfence  }
0xbf: {  	s30 =	sld [smem:$0x0];
	_ =	sdelay $0x2  }
0xc0: {  	s31 =	sshll.u32 s1, $0xD;
	s1 =	sshrl.u32 s1, $0x2  }
0xc1: {  	s3 =	sand.u32 $0x4000, s31;
	s1 =	sadd.s32 s1, s30  }
0xc2: {  	s0 =	sor.u32 s3, s0;
	s1 =	sshll.u32 s1, $0x11  }
0xc3: {  	s0 =	sor.u32 s1, s0  }
0xc4: {  	s0 =	sadd.s32 $0x8F2B, s0  }
0xc5: {  	[sflag:s0] =	ssyncadd.remote.s32 $0x1  }
0xc6: {  	_ =	sfence.sel $0xFFFF  }
0xc7: {  	[dreg:$0x0] =	wrdreg $0xFFFFFFFF;
	(pc) =	sbr.abs _section_cstart, $3  }
0xc8: {  	[dreg:$0x1] =	wrdreg $0xFFFFFFFF  }
0xc9: {  	_ =	task.clear_ibuf [dreg:s10], $0x2FFFF;
	_ =	strace $0x9FFFFFFF  }
0xca: {  	(tm) =	ssettm $0x7FFFFFFF  }
0xcb: {  	_ =	shalt  }
tec
execute0_lowered:
.L_overlay_start_1:
0x0: {  	(tag) =	ssettag $0x1  }
0x1: {  	s1 =	rddreg [dreg:$0x0]  }
0x2: {  	s2 =	rddreg [dreg:$0x1]  }
0x3: {  	s4 =	rddreg [dreg:$0x2]  }
0x4: {  	s5 =	rddreg [dreg:$0x3]  }
0x5: {  	s6 =	srdreg.scid;
	s0 =	rddreg [dreg:$0x4]  }
0x6: {  	s3 =	stileid.u32;
	s11 =	simm.s32 $0x3000;
	s12 =	simm.s32 $0x2  }
0x7: {  	s13 =	simm.s32 $0x2800;
	s14 =	simm.s32 $0x2880;
	s15 =	simm.s32 $0x2900  }
.Ltmp0:
0x8: {  	s16 =	simm.s32 $0x0;
	s7 =	sand.u32 $0x1, s6;
	(pc) =	sbr.rel .LBB2_1-.Ltmp0, $4  }
0x9: {  	s6 =	simm.s32 $0x0;
	s9 =	sshll.u32 s3, $0x1;
	s8 =	ssub.s32 $0x2, s7  }
0xa: {  	[smem:$0x7FF] =	sst s6;
	s7 =	sor.u32 s7, s9;
	s10 =	sshrl.u32 s8, $0x1  }
0xb: {  	s9 =	simm.s32 $0x1;
	_ =	strace $0x80000047;
	s8 =	ssub.s32 s8, s10  }
0xc: {  	s7 =	smul.u32 $0x7, s7;
	s10 =	simm.s32 $0x400;
	s8 =	smax.u32 s8, $0x1  }
.LBB2_9:
0xd: {  	s16 =	sadd.s32 $0x1, s16  }
0xe: {  	p0 =	sne.s32 s16, s8  }
.Ltmp1:
0xf: {  	_ = 	snop;
	(pc) =	sbr.rel @!p0 .LBB2_10-.Ltmp1, $1  }
0x10: {  	_ =	sdelay $0x3  }
.LBB2_1:
.Ltmp2:
0x11: {  	(pc) =	sbr.rel .LBB2_2-.Ltmp2, $2  }
0x12: {  	_ =	sdelay $0x2  }
0x13: {  	s17 =	simm.s32 $0x0  }
.LBB2_8:
0x14: {  	s17 =	sadd.s32 $0x1, s17  }
0x15: {  	p0 =	sne.s32 s17, $0x7  }
.Ltmp3:
0x16: {  	_ = 	snop;
	(pc) =	sbr.rel @!p0 .LBB2_9-.Ltmp3, $1  }
0x17: {  	_ =	sdelay $0x3  }
.LBB2_2:
0x18: {  	s18 =	sadd.s32 s7, s17  }
0x19: {  	p0 =	sgt.u32 s18, $0xDB  }
.Ltmp4:
0x1a: {  	_ = 	snop;
	(pc) =	sbr.rel @p0 .LBB2_8-.Ltmp4, $1  }
0x1b: {  	_ =	sdelay $0x3  }
0x1c: {  	s19 =	smul.u32 $0x75, s18;
	_ =	sdelay $0x1  }
0x1d: {  	s19 =	sshrl.u32 s19, $0x8  }
0x1e: {  	s20 =	ssub.s32 s18, s19  }
0x1f: {  	s20 =	sand.u32 $0xFE, s20  }
0x20: {  	s20 =	sshrl.u32 s20, $0x1  }
0x21: {  	s19 =	sadd.s32 s19, s20  }
0x22: {  	s19 =	sand.u32 $0xF8, s19  }
0x23: {  	s19 =	sshrl.u32 s19, $0x3  }
0x24: {  	s29 =	smul.u32 $0x34, s19;
	_ =	sdelay $0x1  }
0x25: {  	s20 =	sshrl.u32 s29, $0x8  }
0x26: {  	s20 =	smul.u32 $0x5, s20;
	_ =	sdelay $0x1  }
0x27: {  	s20 =	ssub.s32 s19, s20  }
0x28: {  	s20 =	sand.u32 $0xFF, s20  }
0x29: {  	s21 =	smul.u32 $0x95, s18;
	p0 =	slt.u32 s18, $0xB;
	p1 =	sne.s32 s20, $0x0  }
0x2a: {  	s22 =	simm.s32 $0x1;
	p0 =	por !p0, !p1  }
0x2b: {  	s21 =	sshrl.u32 s21, $0xD;
	s19 =	smul.u32 $0xB, s19;
	p0 =	por !p0, !p0  }
0x2c: {  	s21 =	sand.u32 $0x7, s21;
	s22 =	simm.s32 @!p0 $0x0  }
0x2d: {  	s19 =	ssub.s32 s18, s19;
	s18 =	ssub.s32 s21, s22  }
0x2e: {  	s30 =	smul.u32 $0x1E000, s20;
	s19 =	sand.u32 $0xFF, s19;
	s22 =	sadd.s32 $0xC, s18  }
0x2f: {  	s19 =	sshll.u32 s19, $0xA;
	s23 =	smul.u32 $0x96000, s22  }
0x30: {  	s21 =	sadd.s32 s19, s30  }
0x31: {  	s22 =	smul.u32 $0x3000, s22;
	s21 =	sadd.s32 s23, s21  }
0x32: {  	s20 =	sshll.u32 s20, $0x7;
	s21 =	sshrl.u32 s21, $0x3  }
0x33: {  	s22 =	sadd.s32 s19, s22;
	s31 =	sadd.s32 s1, s21;
	s21 =	simm.s32 $0x0  }
0x34: {  	[tilespmem:s21], [sflag:$0x2] =	stream.strided.gather [hbm4b:s31+s10], $0x2800, s11, s10, $0x38;
	[tilespmem:$0x2980] =	vst v63  }
0x35: {  	s22 =	sor.u32 s20, s22;
	_ =	swait.ge [sflag:s12], $0x2800  }
0x36: {  	s22 =	sshrl.u32 s22, $0x3;
	[sflag:s12] =	ssyncset.done $0x0  }
0x37: {  	s22 =	sadd.s32 s2, s22;
	[sflag:s12] =	ssyncadd.s32 $0xFFFFD800  }
0x38: {  	[tilespmem:s13], [sflag:$0x2] =	stream.linear.gather [hbm4b:s22+s21], $0x80, $0x38;
	[tilespmem:$0x2980] =	vst v63  }
0x39: {  	_ =	swait.ge [sflag:s12], $0x80  }
0x3a: {  	[sflag:s12] =	ssyncset.done $0x0  }
0x3b: {  	s23 =	simm.s32 $0x0;
	s22 =	simm.s32 $0x200;
	[sflag:s12] =	ssyncadd.s32 $0xFFFFFF80  }
.LBB2_4:
0x3c: {  	s24 =	sshll.u32 s23, $0x4;
	v1 =	vld [tilespmem:s22+$0xFFFFFE00]  }
0x3d: {  	v0 =	vld [tilespmem:s24+$0x2800];
	_ =	sdelay $0x1  }
0x3e: {  	v2 =	vld [tilespmem:s22+$0xFFFFFE80];
	_ =	sdelay $0x2  }
0x3f: {  	v3 =	vld [tilespmem:s22+$0xFFFFFF00];
	v1 =	vmul.f32 v1, v0  }
0x40: {  	v4 =	vimm.f32 $-1.000000000e+00  }
0x41: {  	v5 =	vld [tilespmem:s22+$0xFFFFFF80];
	v2 =	vmul.f32 v2, v0;
	vm0 =	vgt.f32 v1, v4  }
0x42: {  	v1 =	vsel vm0, v1, v4  }
0x43: {  	v4 =	vld [tilespmem:s22+$0x0];
	vm1 =	vgt.f32 v2, v1  }
0x44: {  	v3 =	vmul.f32 v3, v0;
	v1 =	vsel vm1, v2, v1;
	v2 =	vimm.s32 $0x0  }
0x45: {  	v6 =	vld [tilespmem:s22+$0x80];
	s25 =	simm.s32 $0x1;
	v2 =	vsel vm0, s21, v2  }
0x46: {  	s30 =	simm.s32 $0x2;
	v5 =	vmul.f32 v5, v0;
	vm2 =	vgt.f32 v3, v1;
	v2 =	vsel vm1, s25, v2  }
0x47: {  	v1 =	vsel vm2, v3, v1;
	v3 =	vsel vm2, s30, v2;
	v2 =	vld [tilespmem:s22+$0x100]  }
0x48: {  	s31 =	simm.s32 $0x3;
	vm14 =	vgt.f32 v5, v1;
	v7 =	vmul.f32 v4, v0  }
0x49: {  	v1 =	vsel vm14, v5, v1;
	v8 =	vsel vm14, s31, v3;
	v3 =	vld [tilespmem:s22+$0x180]  }
0x4a: {  	s28 =	simm.s32 $0x4;
	s26 =	sadd.s32 $0x400, s22;
	v5 =	vmul.f32 v6, v0;
	vm15 =	vgt.f32 v7, v1  }
0x4b: {  	s29 =	simm.s32 $0x10;
	s25 =	simm.s32 $0x8;
	v4 =	vld [tilespmem:s26+$0xFFFFFE00];
	v6 =	vsel vm15, v7, v1;
	v1 =	vsel vm15, s28, v8;
	s28 =	simm.s32 $0x0  }
.LBB2_5:
0x4c: {  	p0 =	slt.u32 s29, $0x48;
	vm0 =	vgt.f32 v5, v6;
	s30 =	sadd.s32 $0x5, s28;
	v2 =	vmul.f32 v2, v0  }
0x4d: {  	v7 =	vld [tilespmem:s26+$0xFFFFFE80];
	v5 =	vsel vm0, v5, v6;
	v1 =	vsel vm0, s30, v1  }
0x4e: {  	s30 =	sadd.s32 $0x6, s28;
	vm0 =	vgt.f32 v2, v5;
	v3 =	vmul.f32 v3, v0  }
0x4f: {  	v6 =	vld [tilespmem:s26+$0xFFFFFF00];
	v2 =	vsel vm0, v2, v5;
	v1 =	vsel vm0, s30, v1  }
0x50: {  	s30 =	sadd.s32 $0x7, s28;
	s28 =	smov.u32 s25;
	s25 =	smov.u32 s29;
	v4 =	vmul.f32 v4, v0;
	vm0 =	vgt.f32 v3, v2  }
0x51: {  	v5 =	vld [tilespmem:s26+$0xFFFFFF80];
	v2 =	vsel vm0, v3, v2;
	v1 =	vsel vm0, s30, v1  }
0x52: {  	vm0 =	vgt.f32 v4, v2;
	v3 =	vmul.f32 v7, v0  }
0x53: {  	v2 =	vsel vm0, v4, v2;
	v1 =	vsel vm0, s28, v1;
	v4 =	vld [tilespmem:s26+$0x0]  }
0x54: {  	s30 =	sadd.s32 $0x1, s28;
	vm0 =	vgt.f32 v3, v2;
	v6 =	vmul.f32 v6, v0  }
0x55: {  	v2 =	vsel vm0, v3, v2;
	v1 =	vsel vm0, s30, v1;
	v7 =	vld [tilespmem:s26+$0x80]  }
0x56: {  	s30 =	sadd.s32 $0x2, s28;
	vm0 =	vgt.f32 v6, v2;
	v3 =	vmul.f32 v5, v0  }
.Ltmp5:
0x57: {  	v5 =	vsel vm0, v6, v2;
	v1 =	vsel vm0, s30, v1;
	v2 =	vld [tilespmem:s26+$0x100];
	(pc) =	sbr.rel @p0 .LBB2_5-.Ltmp5, $4  }
0x58: {  	s30 =	sadd.s32 $0x3, s28;
	vm0 =	vgt.f32 v3, v5;
	v6 =	vmul.f32 v4, v0  }
0x59: {  	v8 =	vsel vm0, v3, v5;
	v1 =	vsel vm0, s30, v1;
	v3 =	vld [tilespmem:s26+$0x180]  }
0x5a: {  	s30 =	sadd.s32 $0x4, s28;
	s26 =	sadd.s32 $0x400, s26;
	vm0 =	vgt.f32 v6, v8;
	v5 =	vmul.f32 v7, v0  }
0x5b: {  	s29 =	sadd.s32 $0x8, s29;
	v4 =	vld [tilespmem:s26+$0xFFFFFE00];
	v6 =	vsel vm0, v6, v8;
	v1 =	vsel vm0, s30, v1  }
0x5c: {  	vm0 =	vgt.f32 v5, v6;
	v2 =	vmul.f32 v2, v0  }
0x5d: {  	v7 =	vld [tilespmem:s26+$0xFFFFFE80];
	v5 =	vsel vm0, v5, v6  }
0x5e: {  	vm1 =	vgt.f32 v2, v5;
	v3 =	vmul.f32 v3, v0  }
0x5f: {  	v55 =	vld [tilespmem:s26+$0xFFFFFF00];
	v2 =	vsel vm1, v2, v5  }
0x60: {  	v4 =	vmul.f32 v4, v0;
	vm2 =	vgt.f32 v3, v2  }
0x61: {  	v56 =	vld [tilespmem:s26+$0xFFFFFF80];
	v2 =	vsel vm2, v3, v2  }
0x62: {  	v57 =	vmul.f32 v7, v0;
	vm3 =	vgt.f32 v4, v2  }
0x63: {  	v58 =	vld [tilespmem:s26+$0x0];
	v2 =	vsel vm3, v4, v2  }
0x64: {  	v6 =	vmul.f32 v55, v0;
	vm4 =	vgt.f32 v57, v2  }
0x65: {  	v59 =	vld [tilespmem:s26+$0x80];
	v2 =	vsel vm4, v57, v2  }
0x66: {  	v5 =	vmul.f32 v56, v0;
	vm5 =	vgt.f32 v6, v2  }
0x67: {  	v60 =	vld [tilespmem:s26+$0x100];
	s29 =	sadd.s32 $0x5, s28;
	v2 =	vsel vm5, v6, v2  }
0x68: {  	s31 =	sadd.s32 $0x6, s28;
	v1 =	vsel vm0, s29, v1;
	v4 =	vmul.f32 v58, v0;
	vm6 =	vgt.f32 v5, v2  }
0x69: {  	v61 =	vld [tilespmem:s26+$0x180];
	s28 =	sadd.s32 $0x7, s28;
	v1 =	vsel vm1, s31, v1;
	v2 =	vsel vm6, v5, v2  }
0x6a: {  	v3 =	vmul.f32 v59, v0;
	v1 =	vsel vm2, s28, v1;
	vm11 =	vgt.f32 v4, v2  }
0x6b: {  	s29 =	sadd.s32 $0x1, s25;
	v1 =	vsel vm3, s25, v1;
	v2 =	vsel vm11, v4, v2  }
0x6c: {  	s30 =	sadd.s32 $0x2, s25;
	v62 =	vmul.f32 v60, v0;
	v1 =	vsel vm4, s29, v1;
	vm12 =	vgt.f32 v3, v2  }
0x6d: {  	s31 =	sadd.s32 $0x3, s25;
	v1 =	vsel vm5, s30, v1;
	v2 =	vsel vm12, v3, v2  }
0x6e: {  	s23 =	sadd.s32 $0x1, s23;
	v63 =	vmul.f32 v61, v0;
	s28 =	sadd.s32 $0x4, s25;
	v1 =	vsel vm6, s31, v1;
	vm13 =	vgt.f32 v62, v2  }
0x6f: {  	p0 =	sne.s32 s23, $0x8;
	s29 =	sadd.s32 $0x5, s25;
	v1 =	vsel vm11, s28, v1;
	v2 =	vsel vm13, v62, v2  }
.Ltmp6:
0x70: {  	s30 =	sadd.s32 $0x6, s25;
	v1 =	vsel vm12, s29, v1;
	vm14 =	vgt.f32 v63, v2;
	(pc) =	sbr.rel @p0 .LBB2_4-.Ltmp6, $4  }
0x71: {  	s31 =	sadd.s32 $0x7, s25;
	v1 =	vsel vm13, s30, v1;
	v0 =	vsel vm14, v63, v2  }
0x72: {  	v1 =	vsel vm14, s31, v1;
	vm15 =	vgt.f32 v0, $5.000000000e-01  }
0x73: {  	[tilespmem:s24+$0x2900] =	vst v1;
	v0 =	vnsel vm15, $0x0, v0  }
0x74: {  	s22 =	sadd.s32 $0x10, s22;
	[tilespmem:s24+$0x2880] =	vst v0  }
0x75: {  	s18 =	smul.u32 $0x3000, s18;
	_ =	sdelay $0x1  }
0x76: {  	s18 =	sadd.s32 s19, s18  }
0x77: {  	s18 =	sor.u32 s20, s18  }
0x78: {  	s18 =	sshrl.u32 s18, $0x3  }
0x79: {  	s31 =	sadd.s32 s4, s18  }
0x7a: {  	[hbm4b:s31+s6] =	stream.linear.scatter [tilespmem:s14], [sflag:$0x2], $0x80, $0x38;
	[tilespmem:$0x2980] =	vst v63  }
0x7b: {  	_ =	swait.ge [sflag:s12], $0x80  }
0x7c: {  	[sflag:s12] =	ssyncset.done $0x0  }
.Ltmp7:
0x7d: {  	s18 =	sadd.s32 s5, s18;
	[sflag:s12] =	ssyncadd.s32 $0xFFFFFF80;
	(pc) =	sbr.rel .LBB2_8-.Ltmp7, $4  }
0x7e: {  	[hbm4b:s18+s6] =	stream.linear.scatter [tilespmem:s15], [sflag:$0x1], $0x80, $0x38;
	[tilespmem:$0x2980] =	vst v63  }
0x7f: {  	_ =	swait.ge [sflag:s9], $0x80  }
0x80: {  	[sflag:s9] =	ssyncset.done $0x0  }
0x81: {  	[sflag:s9] =	ssyncadd.s32 $0xFFFFFF80  }
.LBB2_10:
0x82: {  	_ =	sfence.sel $0x180000  }
0x83: {  	[bflag:$0x0] =	sbarrier.arrive $0xFFFF  }
0x84: {  	p0 =	sne.s32 s3, $0x0;
	_ =	strace $0x90000047  }
0x85: {  	s0 =	sadd.s32 @!p0 $0x100000, s0;
	[bflag:$0x2] =	sbarrier.arrive $0xFFFF  }
0x86: {  	[sflag:s0] =	ssyncadd.tile.s32 @!p0 $0x1;
	_ =	shalt  }
.Lfunc_end2:
_tile_overlayer_lowered:
.L_overlay_start_2:
0x87: {  	(tag) =	ssettag $0x2  }
0x88: {  	s0 =	rddreg [dreg:$0x0];
	s2 =	stileid.u32  }
0x89: {  	s1 =	rddreg [dreg:$0x1];
	p0 =	sne.s32 s2, $0x0  }
0x8a: {  	s3 =	rddreg [dreg:$0x2];
	[bflag:$0x3] =	sbarrier.arrive $0xFFFF;
	s2 =	simm.s32 @!p0 $0x1C01  }
0x8b: {  	[timem:s3], [sflag:s2] =	dma.local @!p0 [hbm:s0], s1  }
0x8c: {  	s0 =	simm.s32 @!p0 $0x1  }
0x8d: {  	_ =	swait.ge @!p0 [sflag:s0], s1  }
0x8e: {  	s1 =	ssub.s32 @!p0 $0x0, s1;
	[sflag:s0] =	ssyncset.done @!p0 $0x0  }
0x8f: {  	[sflag:s0] =	ssyncadd.s32 @!p0 s1  }
0x90: {  	[bflag:$0x3] =	sbarrier.arrive $0xFFFF  }
0x91: {  	_ =	shalt  }

</sc_bundles>
